<compile_context>
chip_gen: v7x
topology: tpu7x:2x2x1
jax: 0.10.2.dev20260603
libtpu: 0.0.44.dev20260713+nightly
codegen_flags: <defaults>
</compile_context>

<pallas_src>
import functools
import math

import jax
import jax.numpy as jnp
from jax import lax
from jax.experimental import pallas as pl
from jax.experimental.pallas import tpu as pltpu
from jax.experimental.pallas import tpu_sc as plsc

PAD = 0
SMOOTH = 0.1
CONF = 1.0 - SMOOTH

ROWS_BLK = 128

_INFO = plsc.get_sparse_core_info()
_NC, _NS, _L = _INFO.num_cores, _INFO.num_subcores, _INFO.num_lanes
_NW = _NC * _NS


def _tc_block(pred_ref, tgt_ref, out_ref):
    i = pl.program_id(0)

    x = pred_ref[...]
    t = tgt_ref[0, 0, :]
    v = x.shape[1]
    eps = SMOOTH / (v - 2)
    k_const = CONF * math.log(CONF) + SMOOTH * math.log(eps)

    row_sum = jnp.sum(x, axis=1)
    p_0 = x[:, 0]

    valid = (t != PAD)
    per_row = k_const + eps * p_0 - eps * row_sum
    partial = jnp.sum(jnp.where(valid, per_row, 0.0))

    @pl.when(i == 0)
    def _init():
        out_ref[...] = jnp.zeros((1, 1), jnp.float32)

    out_ref[...] += partial.reshape(1, 1)


def _sc_gather(pred_flat_hbm, tgt_hbm, out_hbm, tgt_v, idx_v, gat_v, acc_v, sem):
    n = tgt_hbm.shape[0]
    tpr = pred_flat_hbm.shape[0] // (n * 128)
    chunk = n // _NW
    nq = chunk // _L
    wid = lax.axis_index("s") * _NC + lax.axis_index("c")
    base = wid * chunk
    pltpu.sync_copy(tgt_hbm.at[pl.ds(base, chunk)], tgt_v)
    lane = lax.iota(jnp.int32, _L)

    for q in range(nq):
        tv = tgt_v[pl.ds(q * _L, _L)]
        iv = base + q * _L + lane
        phys = (((iv >> 3) * tpr + (tv >> 7)) << 10) \
            + ((iv & 7) << 7) + (tv & 127)
        idx_v[pl.ds(q * _L, _L)] = phys

    for h in range(chunk // 128):
        pltpu.async_copy(
            pred_flat_hbm.at[idx_v.at[pl.ds(h * 128, 128)]],
            gat_v.at[pl.ds(h * 128, 128)], sem).wait()

    acc = jnp.zeros((_L,), jnp.float32)
    for q in range(nq):
        tv = tgt_v[pl.ds(q * _L, _L)]
        gv = gat_v[pl.ds(q * _L, _L)]
        acc = acc + jnp.where(tv == PAD, 0.0, gv)
    acc_v[...] = acc
    pltpu.sync_copy(acc_v, out_hbm.at[pl.ds(wid * _L, _L)])


@jax.jit
def kernel(predicts, target):
    n, v = predicts.shape
    eps = SMOOTH / (v - 2)
    grid = n // ROWS_BLK
    tgt = target.astype(jnp.int32)
    tgt3 = tgt.reshape(grid, 1, ROWS_BLK)

    pred_flat = predicts.reshape(n // 8, 8, v // 128, 128) \
        .transpose(0, 2, 1, 3).reshape(-1)

    sc_kernel = functools.partial(
        pl.kernel,
        mesh=plsc.VectorSubcoreMesh(core_axis_name="c", subcore_axis_name="s"),
        out_type=jax.ShapeDtypeStruct((_NW * _L,), jnp.float32),
        scratch_types=[
            pltpu.VMEM((n // _NW,), jnp.int32),
            pltpu.VMEM((n // _NW,), jnp.int32),
            pltpu.VMEM((n // _NW,), jnp.float32),
            pltpu.VMEM((_L,), jnp.float32),
            pltpu.SemaphoreType.DMA,
        ],
    )(_sc_gather)
    sc_part = sc_kernel(pred_flat, tgt)

    tc_out = pl.pallas_call(
        _tc_block,
        grid=(grid,),
        in_specs=[
            pl.BlockSpec((ROWS_BLK, v), lambda i: (i, 0)),
            pl.BlockSpec((1, 1, ROWS_BLK), lambda i: (i, 0, 0)),
        ],
        out_specs=pl.BlockSpec((1, 1), lambda i: (0, 0)),
        out_shape=jax.ShapeDtypeStruct((1, 1), jnp.float32),
    )(predicts, tgt3)

    return tc_out[0, 0] + (eps - CONF) * jnp.sum(sc_part)

# --- scband reference (transcript-rebuilt; emitter-appended) ---
"""Pipeline reference for scband-label-smoothing-66829691126447 (READ-ONLY COPY).

The authoritative reference and input builder live on the scoring server;
editing this copy changes nothing except your own understanding.
"""

import jax, jax.numpy as jnp
import numpy as np

PAD_IDX = 0
SMOOTHING = 0.1
CONFIDENCE = 1.0 - SMOOTHING
N_VOCAB = 32000
N_TOK = 8192


def setup_inputs(seed: int = 0) -> dict:
    key = jax.random.key(seed)
    k1, k2 = jax.random.split(key)
    # predicts are expected to be log-probabilities fed to KLDivLoss
    predicts = jax.nn.log_softmax(jax.random.normal(k1, (N_TOK, N_VOCAB), dtype=jnp.float32), axis=-1)
    target = jax.random.randint(k2, (N_TOK,), 0, N_VOCAB, dtype=jnp.int64 if jax.config.jax_enable_x64 else jnp.int32)
    return {"predicts": predicts, "target": target}


def reference(predicts, target):
    size = predicts.shape[1]
    n = predicts.shape[0]
    # dist = full(smoothing / (size - 2))
    dist = jnp.full_like(predicts, SMOOTHING / (size - 2))
    # scatter confidence at target positions along dim 1
    dist = dist.at[jnp.arange(n), target].set(CONFIDENCE)
    # zero out pad column
    dist = dist.at[:, PAD_IDX].set(0.0)
    # zero out rows where target == pad_idx (index_fill_ over mask rows)
    pad_mask = (target == PAD_IDX)
    dist = jnp.where(pad_mask[:, None], 0.0, dist)
    # KLDivLoss(size_average=False): sum over all elements of t * (log t - input),
    # with the convention 0 * log 0 = 0
    elem = jnp.where(dist > 0, dist * (jnp.log(jnp.where(dist > 0, dist, 1.0)) - predicts), 0.0)
    return jnp.sum(elem)

if __name__ == "__main__":
    import jax
    _d = setup_inputs()
    print(jax.jit(kernel)(*tuple(_d.values())))

</pallas_src>

<mosaic_0001>
#map = affine_map<(d0, d1) -> (0)>
module attributes {stable_mosaic.version = 14 : i64} {
  func.func @_sc_gather(%arg0: i32, %arg1: i32, %arg2: memref<262144000xf32, #tpu.memory_space<hbm>>, %arg3: memref<8192xi32, #tpu.memory_space<hbm>>, %arg4: memref<512xf32, #tpu.memory_space<hbm>>, %arg5: memref<256xi32, #tpu.memory_space<vmem>>, %arg6: memref<256xi32, #tpu.memory_space<vmem>>, %arg7: memref<256xf32, #tpu.memory_space<vmem>>, %arg8: memref<16xf32, #tpu.memory_space<vmem>>, %arg9: memref<!tpu.dma_semaphore, #tpu.memory_space<semaphore_mem>>) attributes {dimension_semantics = [#tpu.dimension_semantics<core_parallel>, #tpu.dimension_semantics<subcore_parallel>], iteration_bounds = array<i64: 2, 16>, scalar_prefetch = 0 : i64, scratch_operands = 5 : i64, tpu.core_type = #tpu.core_type<sc_vector_subcore>, window_params = [{transform_indices = #map}, {transform_indices = #map}, {transform_indices = #map}]} {
    %mul3A = arith.constant 2 : i32
    %mul3A_0 = arith.muli %arg1, %mul3A : i32
    %add3A = arith.addi %mul3A_0, %arg0 : i32
    %mul3A_1 = arith.constant 256 : i32
    %mul3A_2 = arith.muli %add3A, %mul3A_1 : i32
    "tpu.region"() ({
      %run_scoped3A = tpu.sem_alloc : memref<!tpu.dma_semaphore, #tpu.memory_space<semaphore_mem>>
      %dma_start3A_792 = tpu.memref_slice %arg3[%mul3A_2] : memref<8192xi32, #tpu.memory_space<hbm>> -> memref<256xi32, #tpu.memory_space<hbm>>
      %dma_start3A_793 = tpu.memref_slice %arg3[%mul3A_2] : memref<8192xi32, #tpu.memory_space<hbm>> -> memref<256xi32, #tpu.memory_space<hbm>>
      tpu.enqueue_dma source(%dma_start3A_793 : memref<256xi32, #tpu.memory_space<hbm>>) target(%arg5 : memref<256xi32, #tpu.memory_space<vmem>>) target_semaphore(%run_scoped3A : memref<!tpu.dma_semaphore, #tpu.memory_space<semaphore_mem>>)
      %dma_wait3A_794 = tpu.memref_slice %arg3[%mul3A_2] : memref<8192xi32, #tpu.memory_space<hbm>> -> memref<256xi32, #tpu.memory_space<hbm>>
      %dma_wait3A_795 = tpu.memref_slice %arg3[%mul3A_2] : memref<8192xi32, #tpu.memory_space<hbm>> -> memref<256xi32, #tpu.memory_space<hbm>>
      tpu.wait_dma2 semaphore(%run_scoped3A : memref<!tpu.dma_semaphore, #tpu.memory_space<semaphore_mem>>) src(%dma_wait3A_795 : memref<256xi32, #tpu.memory_space<hbm>>) dst(%arg5 : memref<256xi32, #tpu.memory_space<vmem>>)
      tpu.yield
    }) : () -> ()
    %iota3A = tpu.iota {dimensions = array<i32: 0>} : vector<16xi32>
    %get3A = arith.constant 0 : index
    %get3A_3 = tpu.vector_load %arg5[%get3A] {strides = array<i32>} : memref<256xi32, #tpu.memory_space<vmem>>, vector<16xi32>,
    %get3A_4 = vector.shape_cast %get3A_3 : vector<16xi32> to vector<16xi32>
    %add3A_5 = arith.constant 0 : i32
    %add3A_6 = arith.addi %mul3A_2, %add3A_5 : i32
    %add3A_7 = vector.broadcast %add3A_6 : i32 to vector<16xi32>
    %add3A_8 = arith.addi %add3A_7, %iota3A : vector<16xi32>
    %shift_right_arithmetic3A = arith.constant 3 : i32
    %shift_right_arithmetic3A_9 = vector.broadcast %shift_right_arithmetic3A : i32 to vector<16xi32>
    %shift_right_arithmetic3A_10 = arith.shrsi %add3A_8, %shift_right_arithmetic3A_9 : vector<16xi32>
    %mul3A_11 = arith.constant 250 : i32
    %mul3A_12 = vector.broadcast %mul3A_11 : i32 to vector<16xi32>
    %mul3A_13 = arith.muli %shift_right_arithmetic3A_10, %mul3A_12 : vector<16xi32>
    %shift_right_arithmetic3A_14 = arith.constant 7 : i32
    %shift_right_arithmetic3A_15 = vector.broadcast %shift_right_arithmetic3A_14 : i32 to vector<16xi32>
    %shift_right_arithmetic3A_16 = arith.shrsi %get3A_4, %shift_right_arithmetic3A_15 : vector<16xi32>
    %add3A_17 = arith.addi %mul3A_13, %shift_right_arithmetic3A_16 : vector<16xi32>
    %shift_left3A = arith.constant 10 : i32
    %shift_left3A_18 = vector.broadcast %shift_left3A : i32 to vector<16xi32>
    %shift_left3A_19 = arith.shli %add3A_17, %shift_left3A_18 : vector<16xi32>
    %and3A = arith.constant 7 : i32
    %and3A_20 = vector.broadcast %and3A : i32 to vector<16xi32>
    %and3A_21 = arith.andi %add3A_8, %and3A_20 : vector<16xi32>
    %shift_left3A_22 = arith.constant 7 : i32
    %shift_left3A_23 = vector.broadcast %shift_left3A_22 : i32 to vector<16xi32>
    %shift_left3A_24 = arith.shli %and3A_21, %shift_left3A_23 : vector<16xi32>
    %add3A_25 = arith.addi %shift_left3A_19, %shift_left3A_24 : vector<16xi32>
    %and3A_26 = arith.constant 127 : i32
    %and3A_27 = vector.broadcast %and3A_26 : i32 to vector<16xi32>
    %and3A_28 = arith.andi %get3A_4, %and3A_27 : vector<16xi32>
    %add3A_29 = arith.addi %add3A_25, %and3A_28 : vector<16xi32>
    %swap3A = arith.constant 0 : index
    %swap3A_30 = tpu.vector_load %arg6[%swap3A] {strides = array<i32>} : memref<256xi32, #tpu.memory_space<vmem>>, vector<16xi32>,
    %swap3A_31 = vector.shape_cast %swap3A_30 : vector<16xi32> to vector<16xi32>
    %swap3A_32 = vector.shape_cast %add3A_29 : vector<16xi32> to vector<16xi32>
    tpu.vector_store %arg6[%swap3A], %swap3A_32 {strides = array<i32>} : memref<256xi32, #tpu.memory_space<vmem>>, vector<16xi32>,
    %get3A_33 = arith.constant 16 : index
    %get3A_34 = tpu.vector_load %arg5[%get3A_33] {strides = array<i32>} : memref<256xi32, #tpu.memory_space<vmem>>, vector<16xi32>,
    %get3A_35 = vector.shape_cast %get3A_34 : vector<16xi32> to vector<16xi32>
    %add3A_36 = arith.constant 16 : i32
    %add3A_37 = arith.addi %mul3A_2, %add3A_36 : i32
    %add3A_38 = vector.broadcast %add3A_37 : i32 to vector<16xi32>
    %add3A_39 = arith.addi %add3A_38, %iota3A : vector<16xi32>
    %shift_right_arithmetic3A_40 = arith.constant 3 : i32
    %shift_right_arithmetic3A_41 = vector.broadcast %shift_right_arithmetic3A_40 : i32 to vector<16xi32>
    %shift_right_arithmetic3A_42 = arith.shrsi %add3A_39, %shift_right_arithmetic3A_41 : vector<16xi32>
    %mul3A_43 = arith.constant 250 : i32
    %mul3A_44 = vector.broadcast %mul3A_43 : i32 to vector<16xi32>
    %mul3A_45 = arith.muli %shift_right_arithmetic3A_42, %mul3A_44 : vector<16xi32>
    %shift_right_arithmetic3A_46 = arith.constant 7 : i32
    %shift_right_arithmetic3A_47 = vector.broadcast %shift_right_arithmetic3A_46 : i32 to vector<16xi32>
    %shift_right_arithmetic3A_48 = arith.shrsi %get3A_35, %shift_right_arithmetic3A_47 : vector<16xi32>
    %add3A_49 = arith.addi %mul3A_45, %shift_right_arithmetic3A_48 : vector<16xi32>
    %shift_left3A_50 = arith.constant 10 : i32
    %shift_left3A_51 = vector.broadcast %shift_left3A_50 : i32 to vector<16xi32>
    %shift_left3A_52 = arith.shli %add3A_49, %shift_left3A_51 : vector<16xi32>
    %and3A_53 = arith.constant 7 : i32
    %and3A_54 = vector.broadcast %and3A_53 : i32 to vector<16xi32>
    %and3A_55 = arith.andi %add3A_39, %and3A_54 : vector<16xi32>
    %shift_left3A_56 = arith.constant 7 : i32
    %shift_left3A_57 = vector.broadcast %shift_left3A_56 : i32 to vector<16xi32>
    %shift_left3A_58 = arith.shli %and3A_55, %shift_left3A_57 : vector<16xi32>
    %add3A_59 = arith.addi %shift_left3A_52, %shift_left3A_58 : vector<16xi32>
    %and3A_60 = arith.constant 127 : i32
    %and3A_61 = vector.broadcast %and3A_60 : i32 to vector<16xi32>
    %and3A_62 = arith.andi %get3A_35, %and3A_61 : vector<16xi32>
    %add3A_63 = arith.addi %add3A_59, %and3A_62 : vector<16xi32>
    %swap3A_64 = arith.constant 16 : index
    %swap3A_65 = tpu.vector_load %arg6[%swap3A_64] {strides = array<i32>} : memref<256xi32, #tpu.memory_space<vmem>>, vector<16xi32>,
    %swap3A_66 = vector.shape_cast %swap3A_65 : vector<16xi32> to vector<16xi32>
    %swap3A_67 = vector.shape_cast %add3A_63 : vector<16xi32> to vector<16xi32>
    tpu.vector_store %arg6[%swap3A_64], %swap3A_67 {strides = array<i32>} : memref<256xi32, #tpu.memory_space<vmem>>, vector<16xi32>,
    %get3A_68 = arith.constant 32 : index
    %get3A_69 = tpu.vector_load %arg5[%get3A_68] {strides = array<i32>} : memref<256xi32, #tpu.memory_space<vmem>>, vector<16xi32>,
    %get3A_70 = vector.shape_cast %get3A_69 : vector<16xi32> to vector<16xi32>
    %add3A_71 = arith.constant 32 : i32
    %add3A_72 = arith.addi %mul3A_2, %add3A_71 : i32
    %add3A_73 = vector.broadcast %add3A_72 : i32 to vector<16xi32>
    %add3A_74 = arith.addi %add3A_73, %iota3A : vector<16xi32>
    %shift_right_arithmetic3A_75 = arith.constant 3 : i32
    %shift_right_arithmetic3A_76 = vector.broadcast %shift_right_arithmetic3A_75 : i32 to vector<16xi32>
    %shift_right_arithmetic3A_77 = arith.shrsi %add3A_74, %shift_right_arithmetic3A_76 : vector<16xi32>
    %mul3A_78 = arith.constant 250 : i32
    %mul3A_79 = vector.broadcast %mul3A_78 : i32 to vector<16xi32>
    %mul3A_80 = arith.muli %shift_right_arithmetic3A_77, %mul3A_79 : vector<16xi32>
    %shift_right_arithmetic3A_81 = arith.constant 7 : i32
    %shift_right_arithmetic3A_82 = vector.broadcast %shift_right_arithmetic3A_81 : i32 to vector<16xi32>
    %shift_right_arithmetic3A_83 = arith.shrsi %get3A_70, %shift_right_arithmetic3A_82 : vector<16xi32>
    %add3A_84 = arith.addi %mul3A_80, %shift_right_arithmetic3A_83 : vector<16xi32>
    %shift_left3A_85 = arith.constant 10 : i32
    %shift_left3A_86 = vector.broadcast %shift_left3A_85 : i32 to vector<16xi32>
    %shift_left3A_87 = arith.shli %add3A_84, %shift_left3A_86 : vector<16xi32>
    %and3A_88 = arith.constant 7 : i32
    %and3A_89 = vector.broadcast %and3A_88 : i32 to vector<16xi32>
    %and3A_90 = arith.andi %add3A_74, %and3A_89 : vector<16xi32>
    %shift_left3A_91 = arith.constant 7 : i32
    %shift_left3A_92 = vector.broadcast %shift_left3A_91 : i32 to vector<16xi32>
    %shift_left3A_93 = arith.shli %and3A_90, %shift_left3A_92 : vector<16xi32>
    %add3A_94 = arith.addi %shift_left3A_87, %shift_left3A_93 : vector<16xi32>
    %and3A_95 = arith.constant 127 : i32
    %and3A_96 = vector.broadcast %and3A_95 : i32 to vector<16xi32>
    %and3A_97 = arith.andi %get3A_70, %and3A_96 : vector<16xi32>
    %add3A_98 = arith.addi %add3A_94, %and3A_97 : vector<16xi32>
    %swap3A_99 = arith.constant 32 : index
    %swap3A_100 = tpu.vector_load %arg6[%swap3A_99] {strides = array<i32>} : memref<256xi32, #tpu.memory_space<vmem>>, vector<16xi32>,
    %swap3A_101 = vector.shape_cast %swap3A_100 : vector<16xi32> to vector<16xi32>
    %swap3A_102 = vector.shape_cast %add3A_98 : vector<16xi32> to vector<16xi32>
    tpu.vector_store %arg6[%swap3A_99], %swap3A_102 {strides = array<i32>} : memref<256xi32, #tpu.memory_space<vmem>>, vector<16xi32>,
    %get3A_103 = arith.constant 48 : index
    %get3A_104 = tpu.vector_load %arg5[%get3A_103] {strides = array<i32>} : memref<256xi32, #tpu.memory_space<vmem>>, vector<16xi32>,
    %get3A_105 = vector.shape_cast %get3A_104 : vector<16xi32> to vector<16xi32>
    %add3A_106 = arith.constant 48 : i32
    %add3A_107 = arith.addi %mul3A_2, %add3A_106 : i32
    %add3A_108 = vector.broadcast %add3A_107 : i32 to vector<16xi32>
    %add3A_109 = arith.addi %add3A_108, %iota3A : vector<16xi32>
    %shift_right_arithmetic3A_110 = arith.constant 3 : i32
    %shift_right_arithmetic3A_111 = vector.broadcast %shift_right_arithmetic3A_110 : i32 to vector<16xi32>
    %shift_right_arithmetic3A_112 = arith.shrsi %add3A_109, %shift_right_arithmetic3A_111 : vector<16xi32>
    %mul3A_113 = arith.constant 250 : i32
    %mul3A_114 = vector.broadcast %mul3A_113 : i32 to vector<16xi32>
    %mul3A_115 = arith.muli %shift_right_arithmetic3A_112, %mul3A_114 : vector<16xi32>
    %shift_right_arithmetic3A_116 = arith.constant 7 : i32
    %shift_right_arithmetic3A_117 = vector.broadcast %shift_right_arithmetic3A_116 : i32 to vector<16xi32>
    %shift_right_arithmetic3A_118 = arith.shrsi %get3A_105, %shift_right_arithmetic3A_117 : vector<16xi32>
    %add3A_119 = arith.addi %mul3A_115, %shift_right_arithmetic3A_118 : vector<16xi32>
    %shift_left3A_120 = arith.constant 10 : i32
    %shift_left3A_121 = vector.broadcast %shift_left3A_120 : i32 to vector<16xi32>
    %shift_left3A_122 = arith.shli %add3A_119, %shift_left3A_121 : vector<16xi32>
    %and3A_123 = arith.constant 7 : i32
    %and3A_124 = vector.broadcast %and3A_123 : i32 to vector<16xi32>
    %and3A_125 = arith.andi %add3A_109, %and3A_124 : vector<16xi32>
    %shift_left3A_126 = arith.constant 7 : i32
    %shift_left3A_127 = vector.broadcast %shift_left3A_126 : i32 to vector<16xi32>
    %shift_left3A_128 = arith.shli %and3A_125, %shift_left3A_127 : vector<16xi32>
    %add3A_129 = arith.addi %shift_left3A_122, %shift_left3A_128 : vector<16xi32>
    %and3A_130 = arith.constant 127 : i32
    %and3A_131 = vector.broadcast %and3A_130 : i32 to vector<16xi32>
    %and3A_132 = arith.andi %get3A_105, %and3A_131 : vector<16xi32>
    %add3A_133 = arith.addi %add3A_129, %and3A_132 : vector<16xi32>
    %swap3A_134 = arith.constant 48 : index
    %swap3A_135 = tpu.vector_load %arg6[%swap3A_134] {strides = array<i32>} : memref<256xi32, #tpu.memory_space<vmem>>, vector<16xi32>,
    %swap3A_136 = vector.shape_cast %swap3A_135 : vector<16xi32> to vector<16xi32>
    %swap3A_137 = vector.shape_cast %add3A_133 : vector<16xi32> to vector<16xi32>
    tpu.vector_store %arg6[%swap3A_134], %swap3A_137 {strides = array<i32>} : memref<256xi32, #tpu.memory_space<vmem>>, vector<16xi32>,
    %get3A_138 = arith.constant 64 : index
    %get3A_139 = tpu.vector_load %arg5[%get3A_138] {strides = array<i32>} : memref<256xi32, #tpu.memory_space<vmem>>, vector<16xi32>,
    %get3A_140 = vector.shape_cast %get3A_139 : vector<16xi32> to vector<16xi32>
    %add3A_141 = arith.constant 64 : i32
    %add3A_142 = arith.addi %mul3A_2, %add3A_141 : i32
    %add3A_143 = vector.broadcast %add3A_142 : i32 to vector<16xi32>
    %add3A_144 = arith.addi %add3A_143, %iota3A : vector<16xi32>
    %shift_right_arithmetic3A_145 = arith.constant 3 : i32
    %shift_right_arithmetic3A_146 = vector.broadcast %shift_right_arithmetic3A_145 : i32 to vector<16xi32>
    %shift_right_arithmetic3A_147 = arith.shrsi %add3A_144, %shift_right_arithmetic3A_146 : vector<16xi32>
    %mul3A_148 = arith.constant 250 : i32
    %mul3A_149 = vector.broadcast %mul3A_148 : i32 to vector<16xi32>
    %mul3A_150 = arith.muli %shift_right_arithmetic3A_147, %mul3A_149 : vector<16xi32>
    %shift_right_arithmetic3A_151 = arith.constant 7 : i32
    %shift_right_arithmetic3A_152 = vector.broadcast %shift_right_arithmetic3A_151 : i32 to vector<16xi32>
    %shift_right_arithmetic3A_153 = arith.shrsi %get3A_140, %shift_right_arithmetic3A_152 : vector<16xi32>
    %add3A_154 = arith.addi %mul3A_150, %shift_right_arithmetic3A_153 : vector<16xi32>
    %shift_left3A_155 = arith.constant 10 : i32
    %shift_left3A_156 = vector.broadcast %shift_left3A_155 : i32 to vector<16xi32>
    %shift_left3A_157 = arith.shli %add3A_154, %shift_left3A_156 : vector<16xi32>
    %and3A_158 = arith.constant 7 : i32
    %and3A_159 = vector.broadcast %and3A_158 : i32 to vector<16xi32>
    %and3A_160 = arith.andi %add3A_144, %and3A_159 : vector<16xi32>
    %shift_left3A_161 = arith.constant 7 : i32
    %shift_left3A_162 = vector.broadcast %shift_left3A_161 : i32 to vector<16xi32>
    %shift_left3A_163 = arith.shli %and3A_160, %shift_left3A_162 : vector<16xi32>
    %add3A_164 = arith.addi %shift_left3A_157, %shift_left3A_163 : vector<16xi32>
    %and3A_165 = arith.constant 127 : i32
    %and3A_166 = vector.broadcast %and3A_165 : i32 to vector<16xi32>
    %and3A_167 = arith.andi %get3A_140, %and3A_166 : vector<16xi32>
    %add3A_168 = arith.addi %add3A_164, %and3A_167 : vector<16xi32>
    %swap3A_169 = arith.constant 64 : index
    %swap3A_170 = tpu.vector_load %arg6[%swap3A_169] {strides = array<i32>} : memref<256xi32, #tpu.memory_space<vmem>>, vector<16xi32>,
    %swap3A_171 = vector.shape_cast %swap3A_170 : vector<16xi32> to vector<16xi32>
    %swap3A_172 = vector.shape_cast %add3A_168 : vector<16xi32> to vector<16xi32>
    tpu.vector_store %arg6[%swap3A_169], %swap3A_172 {strides = array<i32>} : memref<256xi32, #tpu.memory_space<vmem>>, vector<16xi32>,
    %get3A_173 = arith.constant 80 : index
    %get3A_174 = tpu.vector_load %arg5[%get3A_173] {strides = array<i32>} : memref<256xi32, #tpu.memory_space<vmem>>, vector<16xi32>,
    %get3A_175 = vector.shape_cast %get3A_174 : vector<16xi32> to vector<16xi32>
    %add3A_176 = arith.constant 80 : i32
    %add3A_177 = arith.addi %mul3A_2, %add3A_176 : i32
    %add3A_178 = vector.broadcast %add3A_177 : i32 to vector<16xi32>
    %add3A_179 = arith.addi %add3A_178, %iota3A : vector<16xi32>
    %shift_right_arithmetic3A_180 = arith.constant 3 : i32
    %shift_right_arithmetic3A_181 = vector.broadcast %shift_right_arithmetic3A_180 : i32 to vector<16xi32>
    %shift_right_arithmetic3A_182 = arith.shrsi %add3A_179, %shift_right_arithmetic3A_181 : vector<16xi32>
    %mul3A_183 = arith.constant 250 : i32
    %mul3A_184 = vector.broadcast %mul3A_183 : i32 to vector<16xi32>
    %mul3A_185 = arith.muli %shift_right_arithmetic3A_182, %mul3A_184 : vector<16xi32>
    %shift_right_arithmetic3A_186 = arith.constant 7 : i32
    %shift_right_arithmetic3A_187 = vector.broadcast %shift_right_arithmetic3A_186 : i32 to vector<16xi32>
    %shift_right_arithmetic3A_188 = arith.shrsi %get3A_175, %shift_right_arithmetic3A_187 : vector<16xi32>
    %add3A_189 = arith.addi %mul3A_185, %shift_right_arithmetic3A_188 : vector<16xi32>
    %shift_left3A_190 = arith.constant 10 : i32
    %shift_left3A_191 = vector.broadcast %shift_left3A_190 : i32 to vector<16xi32>
    %shift_left3A_192 = arith.shli %add3A_189, %shift_left3A_191 : vector<16xi32>
    %and3A_193 = arith.constant 7 : i32
    %and3A_194 = vector.broadcast %and3A_193 : i32 to vector<16xi32>
    %and3A_195 = arith.andi %add3A_179, %and3A_194 : vector<16xi32>
    %shift_left3A_196 = arith.constant 7 : i32
    %shift_left3A_197 = vector.broadcast %shift_left3A_196 : i32 to vector<16xi32>
    %shift_left3A_198 = arith.shli %and3A_195, %shift_left3A_197 : vector<16xi32>
    %add3A_199 = arith.addi %shift_left3A_192, %shift_left3A_198 : vector<16xi32>
    %and3A_200 = arith.constant 127 : i32
    %and3A_201 = vector.broadcast %and3A_200 : i32 to vector<16xi32>
    %and3A_202 = arith.andi %get3A_175, %and3A_201 : vector<16xi32>
    %add3A_203 = arith.addi %add3A_199, %and3A_202 : vector<16xi32>
    %swap3A_204 = arith.constant 80 : index
    %swap3A_205 = tpu.vector_load %arg6[%swap3A_204] {strides = array<i32>} : memref<256xi32, #tpu.memory_space<vmem>>, vector<16xi32>,
    %swap3A_206 = vector.shape_cast %swap3A_205 : vector<16xi32> to vector<16xi32>
    %swap3A_207 = vector.shape_cast %add3A_203 : vector<16xi32> to vector<16xi32>
    tpu.vector_store %arg6[%swap3A_204], %swap3A_207 {strides = array<i32>} : memref<256xi32, #tpu.memory_space<vmem>>, vector<16xi32>,
    %get3A_208 = arith.constant 96 : index
    %get3A_209 = tpu.vector_load %arg5[%get3A_208] {strides = array<i32>} : memref<256xi32, #tpu.memory_space<vmem>>, vector<16xi32>,
    %get3A_210 = vector.shape_cast %get3A_209 : vector<16xi32> to vector<16xi32>
    %add3A_211 = arith.constant 96 : i32
    %add3A_212 = arith.addi %mul3A_2, %add3A_211 : i32
    %add3A_213 = vector.broadcast %add3A_212 : i32 to vector<16xi32>
    %add3A_214 = arith.addi %add3A_213, %iota3A : vector<16xi32>
    %shift_right_arithmetic3A_215 = arith.constant 3 : i32
    %shift_right_arithmetic3A_216 = vector.broadcast %shift_right_arithmetic3A_215 : i32 to vector<16xi32>
    %shift_right_arithmetic3A_217 = arith.shrsi %add3A_214, %shift_right_arithmetic3A_216 : vector<16xi32>
    %mul3A_218 = arith.constant 250 : i32
    %mul3A_219 = vector.broadcast %mul3A_218 : i32 to vector<16xi32>
    %mul3A_220 = arith.muli %shift_right_arithmetic3A_217, %mul3A_219 : vector<16xi32>
    %shift_right_arithmetic3A_221 = arith.constant 7 : i32
    %shift_right_arithmetic3A_222 = vector.broadcast %shift_right_arithmetic3A_221 : i32 to vector<16xi32>
    %shift_right_arithmetic3A_223 = arith.shrsi %get3A_210, %shift_right_arithmetic3A_222 : vector<16xi32>
    %add3A_224 = arith.addi %mul3A_220, %shift_right_arithmetic3A_223 : vector<16xi32>
    %shift_left3A_225 = arith.constant 10 : i32
    %shift_left3A_226 = vector.broadcast %shift_left3A_225 : i32 to vector<16xi32>
    %shift_left3A_227 = arith.shli %add3A_224, %shift_left3A_226 : vector<16xi32>
    %and3A_228 = arith.constant 7 : i32
    %and3A_229 = vector.broadcast %and3A_228 : i32 to vector<16xi32>
    %and3A_230 = arith.andi %add3A_214, %and3A_229 : vector<16xi32>
    %shift_left3A_231 = arith.constant 7 : i32
    %shift_left3A_232 = vector.broadcast %shift_left3A_231 : i32 to vector<16xi32>
    %shift_left3A_233 = arith.shli %and3A_230, %shift_left3A_232 : vector<16xi32>
    %add3A_234 = arith.addi %shift_left3A_227, %shift_left3A_233 : vector<16xi32>
    %and3A_235 = arith.constant 127 : i32
    %and3A_236 = vector.broadcast %and3A_235 : i32 to vector<16xi32>
    %and3A_237 = arith.andi %get3A_210, %and3A_236 : vector<16xi32>
    %add3A_238 = arith.addi %add3A_234, %and3A_237 : vector<16xi32>
    %swap3A_239 = arith.constant 96 : index
    %swap3A_240 = tpu.vector_load %arg6[%swap3A_239] {strides = array<i32>} : memref<256xi32, #tpu.memory_space<vmem>>, vector<16xi32>,
    %swap3A_241 = vector.shape_cast %swap3A_240 : vector<16xi32> to vector<16xi32>
    %swap3A_242 = vector.shape_cast %add3A_238 : vector<16xi32> to vector<16xi32>
    tpu.vector_store %arg6[%swap3A_239], %swap3A_242 {strides = array<i32>} : memref<256xi32, #tpu.memory_space<vmem>>, vector<16xi32>,
    %get3A_243 = arith.constant 112 : index
    %get3A_244 = tpu.vector_load %arg5[%get3A_243] {strides = array<i32>} : memref<256xi32, #tpu.memory_space<vmem>>, vector<16xi32>,
    %get3A_245 = vector.shape_cast %get3A_244 : vector<16xi32> to vector<16xi32>
    %add3A_246 = arith.constant 112 : i32
    %add3A_247 = arith.addi %mul3A_2, %add3A_246 : i32
    %add3A_248 = vector.broadcast %add3A_247 : i32 to vector<16xi32>
    %add3A_249 = arith.addi %add3A_248, %iota3A : vector<16xi32>
    %shift_right_arithmetic3A_250 = arith.constant 3 : i32
    %shift_right_arithmetic3A_251 = vector.broadcast %shift_right_arithmetic3A_250 : i32 to vector<16xi32>
    %shift_right_arithmetic3A_252 = arith.shrsi %add3A_249, %shift_right_arithmetic3A_251 : vector<16xi32>
    %mul3A_253 = arith.constant 250 : i32
    %mul3A_254 = vector.broadcast %mul3A_253 : i32 to vector<16xi32>
    %mul3A_255 = arith.muli %shift_right_arithmetic3A_252, %mul3A_254 : vector<16xi32>
    %shift_right_arithmetic3A_256 = arith.constant 7 : i32
    %shift_right_arithmetic3A_257 = vector.broadcast %shift_right_arithmetic3A_256 : i32 to vector<16xi32>
    %shift_right_arithmetic3A_258 = arith.shrsi %get3A_245, %shift_right_arithmetic3A_257 : vector<16xi32>
    %add3A_259 = arith.addi %mul3A_255, %shift_right_arithmetic3A_258 : vector<16xi32>
    %shift_left3A_260 = arith.constant 10 : i32
    %shift_left3A_261 = vector.broadcast %shift_left3A_260 : i32 to vector<16xi32>
    %shift_left3A_262 = arith.shli %add3A_259, %shift_left3A_261 : vector<16xi32>
    %and3A_263 = arith.constant 7 : i32
    %and3A_264 = vector.broadcast %and3A_263 : i32 to vector<16xi32>
    %and3A_265 = arith.andi %add3A_249, %and3A_264 : vector<16xi32>
    %shift_left3A_266 = arith.constant 7 : i32
    %shift_left3A_267 = vector.broadcast %shift_left3A_266 : i32 to vector<16xi32>
    %shift_left3A_268 = arith.shli %and3A_265, %shift_left3A_267 : vector<16xi32>
    %add3A_269 = arith.addi %shift_left3A_262, %shift_left3A_268 : vector<16xi32>
    %and3A_270 = arith.constant 127 : i32
    %and3A_271 = vector.broadcast %and3A_270 : i32 to vector<16xi32>
    %and3A_272 = arith.andi %get3A_245, %and3A_271 : vector<16xi32>
    %add3A_273 = arith.addi %add3A_269, %and3A_272 : vector<16xi32>
    %swap3A_274 = arith.constant 112 : index
    %swap3A_275 = tpu.vector_load %arg6[%swap3A_274] {strides = array<i32>} : memref<256xi32, #tpu.memory_space<vmem>>, vector<16xi32>,
    %swap3A_276 = vector.shape_cast %swap3A_275 : vector<16xi32> to vector<16xi32>
    %swap3A_277 = vector.shape_cast %add3A_273 : vector<16xi32> to vector<16xi32>
    tpu.vector_store %arg6[%swap3A_274], %swap3A_277 {strides = array<i32>} : memref<256xi32, #tpu.memory_space<vmem>>, vector<16xi32>,
    %get3A_278 = arith.constant 128 : index
    %get3A_279 = tpu.vector_load %arg5[%get3A_278] {strides = array<i32>} : memref<256xi32, #tpu.memory_space<vmem>>, vector<16xi32>,
    %get3A_280 = vector.shape_cast %get3A_279 : vector<16xi32> to vector<16xi32>
    %add3A_281 = arith.constant 128 : i32
    %add3A_282 = arith.addi %mul3A_2, %add3A_281 : i32
    %add3A_283 = vector.broadcast %add3A_282 : i32 to vector<16xi32>
    %add3A_284 = arith.addi %add3A_283, %iota3A : vector<16xi32>
    %shift_right_arithmetic3A_285 = arith.constant 3 : i32
    %shift_right_arithmetic3A_286 = vector.broadcast %shift_right_arithmetic3A_285 : i32 to vector<16xi32>
    %shift_right_arithmetic3A_287 = arith.shrsi %add3A_284, %shift_right_arithmetic3A_286 : vector<16xi32>
    %mul3A_288 = arith.constant 250 : i32
    %mul3A_289 = vector.broadcast %mul3A_288 : i32 to vector<16xi32>
    %mul3A_290 = arith.muli %shift_right_arithmetic3A_287, %mul3A_289 : vector<16xi32>
    %shift_right_arithmetic3A_291 = arith.constant 7 : i32
    %shift_right_arithmetic3A_292 = vector.broadcast %shift_right_arithmetic3A_291 : i32 to vector<16xi32>
    %shift_right_arithmetic3A_293 = arith.shrsi %get3A_280, %shift_right_arithmetic3A_292 : vector<16xi32>
    %add3A_294 = arith.addi %mul3A_290, %shift_right_arithmetic3A_293 : vector<16xi32>
    %shift_left3A_295 = arith.constant 10 : i32
    %shift_left3A_296 = vector.broadcast %shift_left3A_295 : i32 to vector<16xi32>
    %shift_left3A_297 = arith.shli %add3A_294, %shift_left3A_296 : vector<16xi32>
    %and3A_298 = arith.constant 7 : i32
    %and3A_299 = vector.broadcast %and3A_298 : i32 to vector<16xi32>
    %and3A_300 = arith.andi %add3A_284, %and3A_299 : vector<16xi32>
    %shift_left3A_301 = arith.constant 7 : i32
    %shift_left3A_302 = vector.broadcast %shift_left3A_301 : i32 to vector<16xi32>
    %shift_left3A_303 = arith.shli %and3A_300, %shift_left3A_302 : vector<16xi32>
    %add3A_304 = arith.addi %shift_left3A_297, %shift_left3A_303 : vector<16xi32>
    %and3A_305 = arith.constant 127 : i32
    %and3A_306 = vector.broadcast %and3A_305 : i32 to vector<16xi32>
    %and3A_307 = arith.andi %get3A_280, %and3A_306 : vector<16xi32>
    %add3A_308 = arith.addi %add3A_304, %and3A_307 : vector<16xi32>
    %swap3A_309 = arith.constant 128 : index
    %swap3A_310 = tpu.vector_load %arg6[%swap3A_309] {strides = array<i32>} : memref<256xi32, #tpu.memory_space<vmem>>, vector<16xi32>,
    %swap3A_311 = vector.shape_cast %swap3A_310 : vector<16xi32> to vector<16xi32>
    %swap3A_312 = vector.shape_cast %add3A_308 : vector<16xi32> to vector<16xi32>
    tpu.vector_store %arg6[%swap3A_309], %swap3A_312 {strides = array<i32>} : memref<256xi32, #tpu.memory_space<vmem>>, vector<16xi32>,
    %get3A_313 = arith.constant 144 : index
    %get3A_314 = tpu.vector_load %arg5[%get3A_313] {strides = array<i32>} : memref<256xi32, #tpu.memory_space<vmem>>, vector<16xi32>,
    %get3A_315 = vector.shape_cast %get3A_314 : vector<16xi32> to vector<16xi32>
    %add3A_316 = arith.constant 144 : i32
    %add3A_317 = arith.addi %mul3A_2, %add3A_316 : i32
    %add3A_318 = vector.broadcast %add3A_317 : i32 to vector<16xi32>
    %add3A_319 = arith.addi %add3A_318, %iota3A : vector<16xi32>
    %shift_right_arithmetic3A_320 = arith.constant 3 : i32
    %shift_right_arithmetic3A_321 = vector.broadcast %shift_right_arithmetic3A_320 : i32 to vector<16xi32>
    %shift_right_arithmetic3A_322 = arith.shrsi %add3A_319, %shift_right_arithmetic3A_321 : vector<16xi32>
    %mul3A_323 = arith.constant 250 : i32
    %mul3A_324 = vector.broadcast %mul3A_323 : i32 to vector<16xi32>
    %mul3A_325 = arith.muli %shift_right_arithmetic3A_322, %mul3A_324 : vector<16xi32>
    %shift_right_arithmetic3A_326 = arith.constant 7 : i32
    %shift_right_arithmetic3A_327 = vector.broadcast %shift_right_arithmetic3A_326 : i32 to vector<16xi32>
    %shift_right_arithmetic3A_328 = arith.shrsi %get3A_315, %shift_right_arithmetic3A_327 : vector<16xi32>
    %add3A_329 = arith.addi %mul3A_325, %shift_right_arithmetic3A_328 : vector<16xi32>
    %shift_left3A_330 = arith.constant 10 : i32
    %shift_left3A_331 = vector.broadcast %shift_left3A_330 : i32 to vector<16xi32>
    %shift_left3A_332 = arith.shli %add3A_329, %shift_left3A_331 : vector<16xi32>
    %and3A_333 = arith.constant 7 : i32
    %and3A_334 = vector.broadcast %and3A_333 : i32 to vector<16xi32>
    %and3A_335 = arith.andi %add3A_319, %and3A_334 : vector<16xi32>
    %shift_left3A_336 = arith.constant 7 : i32
    %shift_left3A_337 = vector.broadcast %shift_left3A_336 : i32 to vector<16xi32>
    %shift_left3A_338 = arith.shli %and3A_335, %shift_left3A_337 : vector<16xi32>
    %add3A_339 = arith.addi %shift_left3A_332, %shift_left3A_338 : vector<16xi32>
    %and3A_340 = arith.constant 127 : i32
    %and3A_341 = vector.broadcast %and3A_340 : i32 to vector<16xi32>
    %and3A_342 = arith.andi %get3A_315, %and3A_341 : vector<16xi32>
    %add3A_343 = arith.addi %add3A_339, %and3A_342 : vector<16xi32>
    %swap3A_344 = arith.constant 144 : index
    %swap3A_345 = tpu.vector_load %arg6[%swap3A_344] {strides = array<i32>} : memref<256xi32, #tpu.memory_space<vmem>>, vector<16xi32>,
    %swap3A_346 = vector.shape_cast %swap3A_345 : vector<16xi32> to vector<16xi32>
    %swap3A_347 = vector.shape_cast %add3A_343 : vector<16xi32> to vector<16xi32>
    tpu.vector_store %arg6[%swap3A_344], %swap3A_347 {strides = array<i32>} : memref<256xi32, #tpu.memory_space<vmem>>, vector<16xi32>,
    %get3A_348 = arith.constant 160 : index
    %get3A_349 = tpu.vector_load %arg5[%get3A_348] {strides = array<i32>} : memref<256xi32, #tpu.memory_space<vmem>>, vector<16xi32>,
    %get3A_350 = vector.shape_cast %get3A_349 : vector<16xi32> to vector<16xi32>
    %add3A_351 = arith.constant 160 : i32
    %add3A_352 = arith.addi %mul3A_2, %add3A_351 : i32
    %add3A_353 = vector.broadcast %add3A_352 : i32 to vector<16xi32>
    %add3A_354 = arith.addi %add3A_353, %iota3A : vector<16xi32>
    %shift_right_arithmetic3A_355 = arith.constant 3 : i32
    %shift_right_arithmetic3A_356 = vector.broadcast %shift_right_arithmetic3A_355 : i32 to vector<16xi32>
    %shift_right_arithmetic3A_357 = arith.shrsi %add3A_354, %shift_right_arithmetic3A_356 : vector<16xi32>
    %mul3A_358 = arith.constant 250 : i32
    %mul3A_359 = vector.broadcast %mul3A_358 : i32 to vector<16xi32>
    %mul3A_360 = arith.muli %shift_right_arithmetic3A_357, %mul3A_359 : vector<16xi32>
    %shift_right_arithmetic3A_361 = arith.constant 7 : i32
    %shift_right_arithmetic3A_362 = vector.broadcast %shift_right_arithmetic3A_361 : i32 to vector<16xi32>
    %shift_right_arithmetic3A_363 = arith.shrsi %get3A_350, %shift_right_arithmetic3A_362 : vector<16xi32>
    %add3A_364 = arith.addi %mul3A_360, %shift_right_arithmetic3A_363 : vector<16xi32>
    %shift_left3A_365 = arith.constant 10 : i32
    %shift_left3A_366 = vector.broadcast %shift_left3A_365 : i32 to vector<16xi32>
    %shift_left3A_367 = arith.shli %add3A_364, %shift_left3A_366 : vector<16xi32>
    %and3A_368 = arith.constant 7 : i32
    %and3A_369 = vector.broadcast %and3A_368 : i32 to vector<16xi32>
    %and3A_370 = arith.andi %add3A_354, %and3A_369 : vector<16xi32>
    %shift_left3A_371 = arith.constant 7 : i32
    %shift_left3A_372 = vector.broadcast %shift_left3A_371 : i32 to vector<16xi32>
    %shift_left3A_373 = arith.shli %and3A_370, %shift_left3A_372 : vector<16xi32>
    %add3A_374 = arith.addi %shift_left3A_367, %shift_left3A_373 : vector<16xi32>
    %and3A_375 = arith.constant 127 : i32
    %and3A_376 = vector.broadcast %and3A_375 : i32 to vector<16xi32>
    %and3A_377 = arith.andi %get3A_350, %and3A_376 : vector<16xi32>
    %add3A_378 = arith.addi %add3A_374, %and3A_377 : vector<16xi32>
    %swap3A_379 = arith.constant 160 : index
    %swap3A_380 = tpu.vector_load %arg6[%swap3A_379] {strides = array<i32>} : memref<256xi32, #tpu.memory_space<vmem>>, vector<16xi32>,
    %swap3A_381 = vector.shape_cast %swap3A_380 : vector<16xi32> to vector<16xi32>
    %swap3A_382 = vector.shape_cast %add3A_378 : vector<16xi32> to vector<16xi32>
    tpu.vector_store %arg6[%swap3A_379], %swap3A_382 {strides = array<i32>} : memref<256xi32, #tpu.memory_space<vmem>>, vector<16xi32>,
    %get3A_383 = arith.constant 176 : index
    %get3A_384 = tpu.vector_load %arg5[%get3A_383] {strides = array<i32>} : memref<256xi32, #tpu.memory_space<vmem>>, vector<16xi32>,
    %get3A_385 = vector.shape_cast %get3A_384 : vector<16xi32> to vector<16xi32>
    %add3A_386 = arith.constant 176 : i32
    %add3A_387 = arith.addi %mul3A_2, %add3A_386 : i32
    %add3A_388 = vector.broadcast %add3A_387 : i32 to vector<16xi32>
    %add3A_389 = arith.addi %add3A_388, %iota3A : vector<16xi32>
    %shift_right_arithmetic3A_390 = arith.constant 3 : i32
    %shift_right_arithmetic3A_391 = vector.broadcast %shift_right_arithmetic3A_390 : i32 to vector<16xi32>
    %shift_right_arithmetic3A_392 = arith.shrsi %add3A_389, %shift_right_arithmetic3A_391 : vector<16xi32>
    %mul3A_393 = arith.constant 250 : i32
    %mul3A_394 = vector.broadcast %mul3A_393 : i32 to vector<16xi32>
    %mul3A_395 = arith.muli %shift_right_arithmetic3A_392, %mul3A_394 : vector<16xi32>
    %shift_right_arithmetic3A_396 = arith.constant 7 : i32
    %shift_right_arithmetic3A_397 = vector.broadcast %shift_right_arithmetic3A_396 : i32 to vector<16xi32>
    %shift_right_arithmetic3A_398 = arith.shrsi %get3A_385, %shift_right_arithmetic3A_397 : vector<16xi32>
    %add3A_399 = arith.addi %mul3A_395, %shift_right_arithmetic3A_398 : vector<16xi32>
    %shift_left3A_400 = arith.constant 10 : i32
    %shift_left3A_401 = vector.broadcast %shift_left3A_400 : i32 to vector<16xi32>
    %shift_left3A_402 = arith.shli %add3A_399, %shift_left3A_401 : vector<16xi32>
    %and3A_403 = arith.constant 7 : i32
    %and3A_404 = vector.broadcast %and3A_403 : i32 to vector<16xi32>
    %and3A_405 = arith.andi %add3A_389, %and3A_404 : vector<16xi32>
    %shift_left3A_406 = arith.constant 7 : i32
    %shift_left3A_407 = vector.broadcast %shift_left3A_406 : i32 to vector<16xi32>
    %shift_left3A_408 = arith.shli %and3A_405, %shift_left3A_407 : vector<16xi32>
    %add3A_409 = arith.addi %shift_left3A_402, %shift_left3A_408 : vector<16xi32>
    %and3A_410 = arith.constant 127 : i32
    %and3A_411 = vector.broadcast %and3A_410 : i32 to vector<16xi32>
    %and3A_412 = arith.andi %get3A_385, %and3A_411 : vector<16xi32>
    %add3A_413 = arith.addi %add3A_409, %and3A_412 : vector<16xi32>
    %swap3A_414 = arith.constant 176 : index
    %swap3A_415 = tpu.vector_load %arg6[%swap3A_414] {strides = array<i32>} : memref<256xi32, #tpu.memory_space<vmem>>, vector<16xi32>,
    %swap3A_416 = vector.shape_cast %swap3A_415 : vector<16xi32> to vector<16xi32>
    %swap3A_417 = vector.shape_cast %add3A_413 : vector<16xi32> to vector<16xi32>
    tpu.vector_store %arg6[%swap3A_414], %swap3A_417 {strides = array<i32>} : memref<256xi32, #tpu.memory_space<vmem>>, vector<16xi32>,
    %get3A_418 = arith.constant 192 : index
    %get3A_419 = tpu.vector_load %arg5[%get3A_418] {strides = array<i32>} : memref<256xi32, #tpu.memory_space<vmem>>, vector<16xi32>,
    %get3A_420 = vector.shape_cast %get3A_419 : vector<16xi32> to vector<16xi32>
    %add3A_421 = arith.constant 192 : i32
    %add3A_422 = arith.addi %mul3A_2, %add3A_421 : i32
    %add3A_423 = vector.broadcast %add3A_422 : i32 to vector<16xi32>
    %add3A_424 = arith.addi %add3A_423, %iota3A : vector<16xi32>
    %shift_right_arithmetic3A_425 = arith.constant 3 : i32
    %shift_right_arithmetic3A_426 = vector.broadcast %shift_right_arithmetic3A_425 : i32 to vector<16xi32>
    %shift_right_arithmetic3A_427 = arith.shrsi %add3A_424, %shift_right_arithmetic3A_426 : vector<16xi32>
    %mul3A_428 = arith.constant 250 : i32
    %mul3A_429 = vector.broadcast %mul3A_428 : i32 to vector<16xi32>
    %mul3A_430 = arith.muli %shift_right_arithmetic3A_427, %mul3A_429 : vector<16xi32>
    %shift_right_arithmetic3A_431 = arith.constant 7 : i32
    %shift_right_arithmetic3A_432 = vector.broadcast %shift_right_arithmetic3A_431 : i32 to vector<16xi32>
    %shift_right_arithmetic3A_433 = arith.shrsi %get3A_420, %shift_right_arithmetic3A_432 : vector<16xi32>
    %add3A_434 = arith.addi %mul3A_430, %shift_right_arithmetic3A_433 : vector<16xi32>
    %shift_left3A_435 = arith.constant 10 : i32
    %shift_left3A_436 = vector.broadcast %shift_left3A_435 : i32 to vector<16xi32>
    %shift_left3A_437 = arith.shli %add3A_434, %shift_left3A_436 : vector<16xi32>
    %and3A_438 = arith.constant 7 : i32
    %and3A_439 = vector.broadcast %and3A_438 : i32 to vector<16xi32>
    %and3A_440 = arith.andi %add3A_424, %and3A_439 : vector<16xi32>
    %shift_left3A_441 = arith.constant 7 : i32
    %shift_left3A_442 = vector.broadcast %shift_left3A_441 : i32 to vector<16xi32>
    %shift_left3A_443 = arith.shli %and3A_440, %shift_left3A_442 : vector<16xi32>
    %add3A_444 = arith.addi %shift_left3A_437, %shift_left3A_443 : vector<16xi32>
    %and3A_445 = arith.constant 127 : i32
    %and3A_446 = vector.broadcast %and3A_445 : i32 to vector<16xi32>
    %and3A_447 = arith.andi %get3A_420, %and3A_446 : vector<16xi32>
    %add3A_448 = arith.addi %add3A_444, %and3A_447 : vector<16xi32>
    %swap3A_449 = arith.constant 192 : index
    %swap3A_450 = tpu.vector_load %arg6[%swap3A_449] {strides = array<i32>} : memref<256xi32, #tpu.memory_space<vmem>>, vector<16xi32>,
    %swap3A_451 = vector.shape_cast %swap3A_450 : vector<16xi32> to vector<16xi32>
    %swap3A_452 = vector.shape_cast %add3A_448 : vector<16xi32> to vector<16xi32>
    tpu.vector_store %arg6[%swap3A_449], %swap3A_452 {strides = array<i32>} : memref<256xi32, #tpu.memory_space<vmem>>, vector<16xi32>,
    %get3A_453 = arith.constant 208 : index
    %get3A_454 = tpu.vector_load %arg5[%get3A_453] {strides = array<i32>} : memref<256xi32, #tpu.memory_space<vmem>>, vector<16xi32>,
    %get3A_455 = vector.shape_cast %get3A_454 : vector<16xi32> to vector<16xi32>
    %add3A_456 = arith.constant 208 : i32
    %add3A_457 = arith.addi %mul3A_2, %add3A_456 : i32
    %add3A_458 = vector.broadcast %add3A_457 : i32 to vector<16xi32>
    %add3A_459 = arith.addi %add3A_458, %iota3A : vector<16xi32>
    %shift_right_arithmetic3A_460 = arith.constant 3 : i32
    %shift_right_arithmetic3A_461 = vector.broadcast %shift_right_arithmetic3A_460 : i32 to vector<16xi32>
    %shift_right_arithmetic3A_462 = arith.shrsi %add3A_459, %shift_right_arithmetic3A_461 : vector<16xi32>
    %mul3A_463 = arith.constant 250 : i32
    %mul3A_464 = vector.broadcast %mul3A_463 : i32 to vector<16xi32>
    %mul3A_465 = arith.muli %shift_right_arithmetic3A_462, %mul3A_464 : vector<16xi32>
    %shift_right_arithmetic3A_466 = arith.constant 7 : i32
    %shift_right_arithmetic3A_467 = vector.broadcast %shift_right_arithmetic3A_466 : i32 to vector<16xi32>
    %shift_right_arithmetic3A_468 = arith.shrsi %get3A_455, %shift_right_arithmetic3A_467 : vector<16xi32>
    %add3A_469 = arith.addi %mul3A_465, %shift_right_arithmetic3A_468 : vector<16xi32>
    %shift_left3A_470 = arith.constant 10 : i32
    %shift_left3A_471 = vector.broadcast %shift_left3A_470 : i32 to vector<16xi32>
    %shift_left3A_472 = arith.shli %add3A_469, %shift_left3A_471 : vector<16xi32>
    %and3A_473 = arith.constant 7 : i32
    %and3A_474 = vector.broadcast %and3A_473 : i32 to vector<16xi32>
    %and3A_475 = arith.andi %add3A_459, %and3A_474 : vector<16xi32>
    %shift_left3A_476 = arith.constant 7 : i32
    %shift_left3A_477 = vector.broadcast %shift_left3A_476 : i32 to vector<16xi32>
    %shift_left3A_478 = arith.shli %and3A_475, %shift_left3A_477 : vector<16xi32>
    %add3A_479 = arith.addi %shift_left3A_472, %shift_left3A_478 : vector<16xi32>
    %and3A_480 = arith.constant 127 : i32
    %and3A_481 = vector.broadcast %and3A_480 : i32 to vector<16xi32>
    %and3A_482 = arith.andi %get3A_455, %and3A_481 : vector<16xi32>
    %add3A_483 = arith.addi %add3A_479, %and3A_482 : vector<16xi32>
    %swap3A_484 = arith.constant 208 : index
    %swap3A_485 = tpu.vector_load %arg6[%swap3A_484] {strides = array<i32>} : memref<256xi32, #tpu.memory_space<vmem>>, vector<16xi32>,
    %swap3A_486 = vector.shape_cast %swap3A_485 : vector<16xi32> to vector<16xi32>
    %swap3A_487 = vector.shape_cast %add3A_483 : vector<16xi32> to vector<16xi32>
    tpu.vector_store %arg6[%swap3A_484], %swap3A_487 {strides = array<i32>} : memref<256xi32, #tpu.memory_space<vmem>>, vector<16xi32>,
    %get3A_488 = arith.constant 224 : index
    %get3A_489 = tpu.vector_load %arg5[%get3A_488] {strides = array<i32>} : memref<256xi32, #tpu.memory_space<vmem>>, vector<16xi32>,
    %get3A_490 = vector.shape_cast %get3A_489 : vector<16xi32> to vector<16xi32>
    %add3A_491 = arith.constant 224 : i32
    %add3A_492 = arith.addi %mul3A_2, %add3A_491 : i32
    %add3A_493 = vector.broadcast %add3A_492 : i32 to vector<16xi32>
    %add3A_494 = arith.addi %add3A_493, %iota3A : vector<16xi32>
    %shift_right_arithmetic3A_495 = arith.constant 3 : i32
    %shift_right_arithmetic3A_496 = vector.broadcast %shift_right_arithmetic3A_495 : i32 to vector<16xi32>
    %shift_right_arithmetic3A_497 = arith.shrsi %add3A_494, %shift_right_arithmetic3A_496 : vector<16xi32>
    %mul3A_498 = arith.constant 250 : i32
    %mul3A_499 = vector.broadcast %mul3A_498 : i32 to vector<16xi32>
    %mul3A_500 = arith.muli %shift_right_arithmetic3A_497, %mul3A_499 : vector<16xi32>
    %shift_right_arithmetic3A_501 = arith.constant 7 : i32
    %shift_right_arithmetic3A_502 = vector.broadcast %shift_right_arithmetic3A_501 : i32 to vector<16xi32>
    %shift_right_arithmetic3A_503 = arith.shrsi %get3A_490, %shift_right_arithmetic3A_502 : vector<16xi32>
    %add3A_504 = arith.addi %mul3A_500, %shift_right_arithmetic3A_503 : vector<16xi32>
    %shift_left3A_505 = arith.constant 10 : i32
    %shift_left3A_506 = vector.broadcast %shift_left3A_505 : i32 to vector<16xi32>
    %shift_left3A_507 = arith.shli %add3A_504, %shift_left3A_506 : vector<16xi32>
    %and3A_508 = arith.constant 7 : i32
    %and3A_509 = vector.broadcast %and3A_508 : i32 to vector<16xi32>
    %and3A_510 = arith.andi %add3A_494, %and3A_509 : vector<16xi32>
    %shift_left3A_511 = arith.constant 7 : i32
    %shift_left3A_512 = vector.broadcast %shift_left3A_511 : i32 to vector<16xi32>
    %shift_left3A_513 = arith.shli %and3A_510, %shift_left3A_512 : vector<16xi32>
    %add3A_514 = arith.addi %shift_left3A_507, %shift_left3A_513 : vector<16xi32>
    %and3A_515 = arith.constant 127 : i32
    %and3A_516 = vector.broadcast %and3A_515 : i32 to vector<16xi32>
    %and3A_517 = arith.andi %get3A_490, %and3A_516 : vector<16xi32>
    %add3A_518 = arith.addi %add3A_514, %and3A_517 : vector<16xi32>
    %swap3A_519 = arith.constant 224 : index
    %swap3A_520 = tpu.vector_load %arg6[%swap3A_519] {strides = array<i32>} : memref<256xi32, #tpu.memory_space<vmem>>, vector<16xi32>,
    %swap3A_521 = vector.shape_cast %swap3A_520 : vector<16xi32> to vector<16xi32>
    %swap3A_522 = vector.shape_cast %add3A_518 : vector<16xi32> to vector<16xi32>
    tpu.vector_store %arg6[%swap3A_519], %swap3A_522 {strides = array<i32>} : memref<256xi32, #tpu.memory_space<vmem>>, vector<16xi32>,
    %get3A_523 = arith.constant 240 : index
    %get3A_524 = tpu.vector_load %arg5[%get3A_523] {strides = array<i32>} : memref<256xi32, #tpu.memory_space<vmem>>, vector<16xi32>,
    %get3A_525 = vector.shape_cast %get3A_524 : vector<16xi32> to vector<16xi32>
    %add3A_526 = arith.constant 240 : i32
    %add3A_527 = arith.addi %mul3A_2, %add3A_526 : i32
    %add3A_528 = vector.broadcast %add3A_527 : i32 to vector<16xi32>
    %add3A_529 = arith.addi %add3A_528, %iota3A : vector<16xi32>
    %shift_right_arithmetic3A_530 = arith.constant 3 : i32
    %shift_right_arithmetic3A_531 = vector.broadcast %shift_right_arithmetic3A_530 : i32 to vector<16xi32>
    %shift_right_arithmetic3A_532 = arith.shrsi %add3A_529, %shift_right_arithmetic3A_531 : vector<16xi32>
    %mul3A_533 = arith.constant 250 : i32
    %mul3A_534 = vector.broadcast %mul3A_533 : i32 to vector<16xi32>
    %mul3A_535 = arith.muli %shift_right_arithmetic3A_532, %mul3A_534 : vector<16xi32>
    %shift_right_arithmetic3A_536 = arith.constant 7 : i32
    %shift_right_arithmetic3A_537 = vector.broadcast %shift_right_arithmetic3A_536 : i32 to vector<16xi32>
    %shift_right_arithmetic3A_538 = arith.shrsi %get3A_525, %shift_right_arithmetic3A_537 : vector<16xi32>
    %add3A_539 = arith.addi %mul3A_535, %shift_right_arithmetic3A_538 : vector<16xi32>
    %shift_left3A_540 = arith.constant 10 : i32
    %shift_left3A_541 = vector.broadcast %shift_left3A_540 : i32 to vector<16xi32>
    %shift_left3A_542 = arith.shli %add3A_539, %shift_left3A_541 : vector<16xi32>
    %and3A_543 = arith.constant 7 : i32
    %and3A_544 = vector.broadcast %and3A_543 : i32 to vector<16xi32>
    %and3A_545 = arith.andi %add3A_529, %and3A_544 : vector<16xi32>
    %shift_left3A_546 = arith.constant 7 : i32
    %shift_left3A_547 = vector.broadcast %shift_left3A_546 : i32 to vector<16xi32>
    %shift_left3A_548 = arith.shli %and3A_545, %shift_left3A_547 : vector<16xi32>
    %add3A_549 = arith.addi %shift_left3A_542, %shift_left3A_548 : vector<16xi32>
    %and3A_550 = arith.constant 127 : i32
    %and3A_551 = vector.broadcast %and3A_550 : i32 to vector<16xi32>
    %and3A_552 = arith.andi %get3A_525, %and3A_551 : vector<16xi32>
    %add3A_553 = arith.addi %add3A_549, %and3A_552 : vector<16xi32>
    %swap3A_554 = arith.constant 240 : index
    %swap3A_555 = tpu.vector_load %arg6[%swap3A_554] {strides = array<i32>} : memref<256xi32, #tpu.memory_space<vmem>>, vector<16xi32>,
    %swap3A_556 = vector.shape_cast %swap3A_555 : vector<16xi32> to vector<16xi32>
    %swap3A_557 = vector.shape_cast %add3A_553 : vector<16xi32> to vector<16xi32>
    tpu.vector_store %arg6[%swap3A_554], %swap3A_557 {strides = array<i32>} : memref<256xi32, #tpu.memory_space<vmem>>, vector<16xi32>,
    %dma_start3A = arith.constant 0 : i32
    %dma_start3A_558 = tpu.memref_slice %arg7[%dma_start3A] : memref<256xf32, #tpu.memory_space<vmem>> -> memref<128xf32, #tpu.memory_space<vmem>>
    %dma_start3A_559 = arith.constant 0 : i32
    %dma_start3A_560 = tpu.memref_slice %arg6[%dma_start3A_559] : memref<256xi32, #tpu.memory_space<vmem>> -> memref<128xi32, #tpu.memory_space<vmem>>
    %dma_start3A_561 = arith.constant 0 : i32
    %dma_start3A_562 = tpu.memref_slice %arg2[%dma_start3A_561] : memref<262144000xf32, #tpu.memory_space<hbm>> -> memref<262144000xf32, #tpu.memory_space<hbm>>
    tpu.enqueue_indirect_dma source(%dma_start3A_562 : memref<262144000xf32, #tpu.memory_space<hbm>>) target(%dma_start3A_558 : memref<128xf32, #tpu.memory_space<vmem>>) offsets(%dma_start3A_560 : memref<128xi32, #tpu.memory_space<vmem>>) semaphore(%arg9 : memref<!tpu.dma_semaphore, #tpu.memory_space<semaphore_mem>>)
    %dma_wait3A = arith.constant 0 : i32
    %dma_wait3A_563 = tpu.memref_slice %arg7[%dma_wait3A] : memref<256xf32, #tpu.memory_space<vmem>> -> memref<128xf32, #tpu.memory_space<vmem>>
    %dma_wait3A_564 = arith.constant 0 : i32
    %dma_wait3A_565 = tpu.memref_slice %arg6[%dma_wait3A_564] : memref<256xi32, #tpu.memory_space<vmem>> -> memref<128xi32, #tpu.memory_space<vmem>>
    %dma_wait3A_566 = arith.constant 0 : i32
    %dma_wait3A_567 = tpu.memref_slice %arg2[%dma_wait3A_566] : memref<262144000xf32, #tpu.memory_space<hbm>> -> memref<262144000xf32, #tpu.memory_space<hbm>>
    tpu.wait_indirect_dma semaphore(%arg9 : memref<!tpu.dma_semaphore, #tpu.memory_space<semaphore_mem>>) src(%dma_wait3A_567 : memref<262144000xf32, #tpu.memory_space<hbm>>) dst(%dma_wait3A_563 : memref<128xf32, #tpu.memory_space<vmem>>)
    %dma_start3A_568 = arith.constant 128 : i32
    %dma_start3A_569 = tpu.memref_slice %arg7[%dma_start3A_568] : memref<256xf32, #tpu.memory_space<vmem>> -> memref<128xf32, #tpu.memory_space<vmem>>
    %dma_start3A_570 = arith.constant 128 : i32
    %dma_start3A_571 = tpu.memref_slice %arg6[%dma_start3A_570] : memref<256xi32, #tpu.memory_space<vmem>> -> memref<128xi32, #tpu.memory_space<vmem>>
    %dma_start3A_572 = arith.constant 0 : i32
    %dma_start3A_573 = tpu.memref_slice %arg2[%dma_start3A_572] : memref<262144000xf32, #tpu.memory_space<hbm>> -> memref<262144000xf32, #tpu.memory_space<hbm>>
    tpu.enqueue_indirect_dma source(%dma_start3A_573 : memref<262144000xf32, #tpu.memory_space<hbm>>) target(%dma_start3A_569 : memref<128xf32, #tpu.memory_space<vmem>>) offsets(%dma_start3A_571 : memref<128xi32, #tpu.memory_space<vmem>>) semaphore(%arg9 : memref<!tpu.dma_semaphore, #tpu.memory_space<semaphore_mem>>)
    %dma_wait3A_574 = arith.constant 128 : i32
    %dma_wait3A_575 = tpu.memref_slice %arg7[%dma_wait3A_574] : memref<256xf32, #tpu.memory_space<vmem>> -> memref<128xf32, #tpu.memory_space<vmem>>
    %dma_wait3A_576 = arith.constant 128 : i32
    %dma_wait3A_577 = tpu.memref_slice %arg6[%dma_wait3A_576] : memref<256xi32, #tpu.memory_space<vmem>> -> memref<128xi32, #tpu.memory_space<vmem>>
    %dma_wait3A_578 = arith.constant 0 : i32
    %dma_wait3A_579 = tpu.memref_slice %arg2[%dma_wait3A_578] : memref<262144000xf32, #tpu.memory_space<hbm>> -> memref<262144000xf32, #tpu.memory_space<hbm>>
    tpu.wait_indirect_dma semaphore(%arg9 : memref<!tpu.dma_semaphore, #tpu.memory_space<semaphore_mem>>) src(%dma_wait3A_579 : memref<262144000xf32, #tpu.memory_space<hbm>>) dst(%dma_wait3A_575 : memref<128xf32, #tpu.memory_space<vmem>>)
    %broadcast_in_dim3A = arith.constant 0.000000e+00 : f32
    %broadcast_in_dim3A_580 = vector.broadcast %broadcast_in_dim3A : f32 to vector<16xf32>
    %get3A_581 = arith.constant 0 : index
    %get3A_582 = tpu.vector_load %arg5[%get3A_581] {strides = array<i32>} : memref<256xi32, #tpu.memory_space<vmem>>, vector<16xi32>,
    %get3A_583 = vector.shape_cast %get3A_582 : vector<16xi32> to vector<16xi32>
    %get3A_584 = arith.constant 0 : index
    %get3A_585 = tpu.vector_load %arg7[%get3A_584] {strides = array<i32>} : memref<256xf32, #tpu.memory_space<vmem>>, vector<16xf32>,
    %get3A_586 = vector.shape_cast %get3A_585 : vector<16xf32> to vector<16xf32>
    %eq3A = arith.constant 0 : i32
    %eq3A_587 = vector.broadcast %eq3A : i32 to vector<16xi32>
    %eq3A_588 = arith.cmpi eq, %get3A_583, %eq3A_587 : vector<16xi32>
    %jit3A = arith.constant 0.000000e+00 : f32
    %broadcast_in_dim3A_589 = vector.broadcast %jit3A : f32 to vector<16xf32>
    %select_n3A = arith.select %eq3A_588, %broadcast_in_dim3A_589, %get3A_586 : vector<16xi1>, vector<16xf32>
    %add3A_590 = arith.addf %broadcast_in_dim3A_580, %select_n3A : vector<16xf32>
    %get3A_591 = arith.constant 16 : index
    %get3A_592 = tpu.vector_load %arg5[%get3A_591] {strides = array<i32>} : memref<256xi32, #tpu.memory_space<vmem>>, vector<16xi32>,
    %get3A_593 = vector.shape_cast %get3A_592 : vector<16xi32> to vector<16xi32>
    %get3A_594 = arith.constant 16 : index
    %get3A_595 = tpu.vector_load %arg7[%get3A_594] {strides = array<i32>} : memref<256xf32, #tpu.memory_space<vmem>>, vector<16xf32>,
    %get3A_596 = vector.shape_cast %get3A_595 : vector<16xf32> to vector<16xf32>
    %eq3A_597 = arith.constant 0 : i32
    %eq3A_598 = vector.broadcast %eq3A_597 : i32 to vector<16xi32>
    %eq3A_599 = arith.cmpi eq, %get3A_593, %eq3A_598 : vector<16xi32>
    %jit3A_600 = arith.constant 0.000000e+00 : f32
    %broadcast_in_dim3A_601 = vector.broadcast %jit3A_600 : f32 to vector<16xf32>
    %select_n3A_602 = arith.select %eq3A_599, %broadcast_in_dim3A_601, %get3A_596 : vector<16xi1>, vector<16xf32>
    %add3A_603 = arith.addf %add3A_590, %select_n3A_602 : vector<16xf32>
    %get3A_604 = arith.constant 32 : index
    %get3A_605 = tpu.vector_load %arg5[%get3A_604] {strides = array<i32>} : memref<256xi32, #tpu.memory_space<vmem>>, vector<16xi32>,
    %get3A_606 = vector.shape_cast %get3A_605 : vector<16xi32> to vector<16xi32>
    %get3A_607 = arith.constant 32 : index
    %get3A_608 = tpu.vector_load %arg7[%get3A_607] {strides = array<i32>} : memref<256xf32, #tpu.memory_space<vmem>>, vector<16xf32>,
    %get3A_609 = vector.shape_cast %get3A_608 : vector<16xf32> to vector<16xf32>
    %eq3A_610 = arith.constant 0 : i32
    %eq3A_611 = vector.broadcast %eq3A_610 : i32 to vector<16xi32>
    %eq3A_612 = arith.cmpi eq, %get3A_606, %eq3A_611 : vector<16xi32>
    %jit3A_613 = arith.constant 0.000000e+00 : f32
    %broadcast_in_dim3A_614 = vector.broadcast %jit3A_613 : f32 to vector<16xf32>
    %select_n3A_615 = arith.select %eq3A_612, %broadcast_in_dim3A_614, %get3A_609 : vector<16xi1>, vector<16xf32>
    %add3A_616 = arith.addf %add3A_603, %select_n3A_615 : vector<16xf32>
    %get3A_617 = arith.constant 48 : index
    %get3A_618 = tpu.vector_load %arg5[%get3A_617] {strides = array<i32>} : memref<256xi32, #tpu.memory_space<vmem>>, vector<16xi32>,
    %get3A_619 = vector.shape_cast %get3A_618 : vector<16xi32> to vector<16xi32>
    %get3A_620 = arith.constant 48 : index
    %get3A_621 = tpu.vector_load %arg7[%get3A_620] {strides = array<i32>} : memref<256xf32, #tpu.memory_space<vmem>>, vector<16xf32>,
    %get3A_622 = vector.shape_cast %get3A_621 : vector<16xf32> to vector<16xf32>
    %eq3A_623 = arith.constant 0 : i32
    %eq3A_624 = vector.broadcast %eq3A_623 : i32 to vector<16xi32>
    %eq3A_625 = arith.cmpi eq, %get3A_619, %eq3A_624 : vector<16xi32>
    %jit3A_626 = arith.constant 0.000000e+00 : f32
    %broadcast_in_dim3A_627 = vector.broadcast %jit3A_626 : f32 to vector<16xf32>
    %select_n3A_628 = arith.select %eq3A_625, %broadcast_in_dim3A_627, %get3A_622 : vector<16xi1>, vector<16xf32>
    %add3A_629 = arith.addf %add3A_616, %select_n3A_628 : vector<16xf32>
    %get3A_630 = arith.constant 64 : index
    %get3A_631 = tpu.vector_load %arg5[%get3A_630] {strides = array<i32>} : memref<256xi32, #tpu.memory_space<vmem>>, vector<16xi32>,
    %get3A_632 = vector.shape_cast %get3A_631 : vector<16xi32> to vector<16xi32>
    %get3A_633 = arith.constant 64 : index
    %get3A_634 = tpu.vector_load %arg7[%get3A_633] {strides = array<i32>} : memref<256xf32, #tpu.memory_space<vmem>>, vector<16xf32>,
    %get3A_635 = vector.shape_cast %get3A_634 : vector<16xf32> to vector<16xf32>
    %eq3A_636 = arith.constant 0 : i32
    %eq3A_637 = vector.broadcast %eq3A_636 : i32 to vector<16xi32>
    %eq3A_638 = arith.cmpi eq, %get3A_632, %eq3A_637 : vector<16xi32>
    %jit3A_639 = arith.constant 0.000000e+00 : f32
    %broadcast_in_dim3A_640 = vector.broadcast %jit3A_639 : f32 to vector<16xf32>
    %select_n3A_641 = arith.select %eq3A_638, %broadcast_in_dim3A_640, %get3A_635 : vector<16xi1>, vector<16xf32>
    %add3A_642 = arith.addf %add3A_629, %select_n3A_641 : vector<16xf32>
    %get3A_643 = arith.constant 80 : index
    %get3A_644 = tpu.vector_load %arg5[%get3A_643] {strides = array<i32>} : memref<256xi32, #tpu.memory_space<vmem>>, vector<16xi32>,
    %get3A_645 = vector.shape_cast %get3A_644 : vector<16xi32> to vector<16xi32>
    %get3A_646 = arith.constant 80 : index
    %get3A_647 = tpu.vector_load %arg7[%get3A_646] {strides = array<i32>} : memref<256xf32, #tpu.memory_space<vmem>>, vector<16xf32>,
    %get3A_648 = vector.shape_cast %get3A_647 : vector<16xf32> to vector<16xf32>
    %eq3A_649 = arith.constant 0 : i32
    %eq3A_650 = vector.broadcast %eq3A_649 : i32 to vector<16xi32>
    %eq3A_651 = arith.cmpi eq, %get3A_645, %eq3A_650 : vector<16xi32>
    %jit3A_652 = arith.constant 0.000000e+00 : f32
    %broadcast_in_dim3A_653 = vector.broadcast %jit3A_652 : f32 to vector<16xf32>
    %select_n3A_654 = arith.select %eq3A_651, %broadcast_in_dim3A_653, %get3A_648 : vector<16xi1>, vector<16xf32>
    %add3A_655 = arith.addf %add3A_642, %select_n3A_654 : vector<16xf32>
    %get3A_656 = arith.constant 96 : index
    %get3A_657 = tpu.vector_load %arg5[%get3A_656] {strides = array<i32>} : memref<256xi32, #tpu.memory_space<vmem>>, vector<16xi32>,
    %get3A_658 = vector.shape_cast %get3A_657 : vector<16xi32> to vector<16xi32>
    %get3A_659 = arith.constant 96 : index
    %get3A_660 = tpu.vector_load %arg7[%get3A_659] {strides = array<i32>} : memref<256xf32, #tpu.memory_space<vmem>>, vector<16xf32>,
    %get3A_661 = vector.shape_cast %get3A_660 : vector<16xf32> to vector<16xf32>
    %eq3A_662 = arith.constant 0 : i32
    %eq3A_663 = vector.broadcast %eq3A_662 : i32 to vector<16xi32>
    %eq3A_664 = arith.cmpi eq, %get3A_658, %eq3A_663 : vector<16xi32>
    %jit3A_665 = arith.constant 0.000000e+00 : f32
    %broadcast_in_dim3A_666 = vector.broadcast %jit3A_665 : f32 to vector<16xf32>
    %select_n3A_667 = arith.select %eq3A_664, %broadcast_in_dim3A_666, %get3A_661 : vector<16xi1>, vector<16xf32>
    %add3A_668 = arith.addf %add3A_655, %select_n3A_667 : vector<16xf32>
    %get3A_669 = arith.constant 112 : index
    %get3A_670 = tpu.vector_load %arg5[%get3A_669] {strides = array<i32>} : memref<256xi32, #tpu.memory_space<vmem>>, vector<16xi32>,
    %get3A_671 = vector.shape_cast %get3A_670 : vector<16xi32> to vector<16xi32>
    %get3A_672 = arith.constant 112 : index
    %get3A_673 = tpu.vector_load %arg7[%get3A_672] {strides = array<i32>} : memref<256xf32, #tpu.memory_space<vmem>>, vector<16xf32>,
    %get3A_674 = vector.shape_cast %get3A_673 : vector<16xf32> to vector<16xf32>
    %eq3A_675 = arith.constant 0 : i32
    %eq3A_676 = vector.broadcast %eq3A_675 : i32 to vector<16xi32>
    %eq3A_677 = arith.cmpi eq, %get3A_671, %eq3A_676 : vector<16xi32>
    %jit3A_678 = arith.constant 0.000000e+00 : f32
    %broadcast_in_dim3A_679 = vector.broadcast %jit3A_678 : f32 to vector<16xf32>
    %select_n3A_680 = arith.select %eq3A_677, %broadcast_in_dim3A_679, %get3A_674 : vector<16xi1>, vector<16xf32>
    %add3A_681 = arith.addf %add3A_668, %select_n3A_680 : vector<16xf32>
    %get3A_682 = arith.constant 128 : index
    %get3A_683 = tpu.vector_load %arg5[%get3A_682] {strides = array<i32>} : memref<256xi32, #tpu.memory_space<vmem>>, vector<16xi32>,
    %get3A_684 = vector.shape_cast %get3A_683 : vector<16xi32> to vector<16xi32>
    %get3A_685 = arith.constant 128 : index
    %get3A_686 = tpu.vector_load %arg7[%get3A_685] {strides = array<i32>} : memref<256xf32, #tpu.memory_space<vmem>>, vector<16xf32>,
    %get3A_687 = vector.shape_cast %get3A_686 : vector<16xf32> to vector<16xf32>
    %eq3A_688 = arith.constant 0 : i32
    %eq3A_689 = vector.broadcast %eq3A_688 : i32 to vector<16xi32>
    %eq3A_690 = arith.cmpi eq, %get3A_684, %eq3A_689 : vector<16xi32>
    %jit3A_691 = arith.constant 0.000000e+00 : f32
    %broadcast_in_dim3A_692 = vector.broadcast %jit3A_691 : f32 to vector<16xf32>
    %select_n3A_693 = arith.select %eq3A_690, %broadcast_in_dim3A_692, %get3A_687 : vector<16xi1>, vector<16xf32>
    %add3A_694 = arith.addf %add3A_681, %select_n3A_693 : vector<16xf32>
    %get3A_695 = arith.constant 144 : index
    %get3A_696 = tpu.vector_load %arg5[%get3A_695] {strides = array<i32>} : memref<256xi32, #tpu.memory_space<vmem>>, vector<16xi32>,
    %get3A_697 = vector.shape_cast %get3A_696 : vector<16xi32> to vector<16xi32>
    %get3A_698 = arith.constant 144 : index
    %get3A_699 = tpu.vector_load %arg7[%get3A_698] {strides = array<i32>} : memref<256xf32, #tpu.memory_space<vmem>>, vector<16xf32>,
    %get3A_700 = vector.shape_cast %get3A_699 : vector<16xf32> to vector<16xf32>
    %eq3A_701 = arith.constant 0 : i32
    %eq3A_702 = vector.broadcast %eq3A_701 : i32 to vector<16xi32>
    %eq3A_703 = arith.cmpi eq, %get3A_697, %eq3A_702 : vector<16xi32>
    %jit3A_704 = arith.constant 0.000000e+00 : f32
    %broadcast_in_dim3A_705 = vector.broadcast %jit3A_704 : f32 to vector<16xf32>
    %select_n3A_706 = arith.select %eq3A_703, %broadcast_in_dim3A_705, %get3A_700 : vector<16xi1>, vector<16xf32>
    %add3A_707 = arith.addf %add3A_694, %select_n3A_706 : vector<16xf32>
    %get3A_708 = arith.constant 160 : index
    %get3A_709 = tpu.vector_load %arg5[%get3A_708] {strides = array<i32>} : memref<256xi32, #tpu.memory_space<vmem>>, vector<16xi32>,
    %get3A_710 = vector.shape_cast %get3A_709 : vector<16xi32> to vector<16xi32>
    %get3A_711 = arith.constant 160 : index
    %get3A_712 = tpu.vector_load %arg7[%get3A_711] {strides = array<i32>} : memref<256xf32, #tpu.memory_space<vmem>>, vector<16xf32>,
    %get3A_713 = vector.shape_cast %get3A_712 : vector<16xf32> to vector<16xf32>
    %eq3A_714 = arith.constant 0 : i32
    %eq3A_715 = vector.broadcast %eq3A_714 : i32 to vector<16xi32>
    %eq3A_716 = arith.cmpi eq, %get3A_710, %eq3A_715 : vector<16xi32>
    %jit3A_717 = arith.constant 0.000000e+00 : f32
    %broadcast_in_dim3A_718 = vector.broadcast %jit3A_717 : f32 to vector<16xf32>
    %select_n3A_719 = arith.select %eq3A_716, %broadcast_in_dim3A_718, %get3A_713 : vector<16xi1>, vector<16xf32>
    %add3A_720 = arith.addf %add3A_707, %select_n3A_719 : vector<16xf32>
    %get3A_721 = arith.constant 176 : index
    %get3A_722 = tpu.vector_load %arg5[%get3A_721] {strides = array<i32>} : memref<256xi32, #tpu.memory_space<vmem>>, vector<16xi32>,
    %get3A_723 = vector.shape_cast %get3A_722 : vector<16xi32> to vector<16xi32>
    %get3A_724 = arith.constant 176 : index
    %get3A_725 = tpu.vector_load %arg7[%get3A_724] {strides = array<i32>} : memref<256xf32, #tpu.memory_space<vmem>>, vector<16xf32>,
    %get3A_726 = vector.shape_cast %get3A_725 : vector<16xf32> to vector<16xf32>
    %eq3A_727 = arith.constant 0 : i32
    %eq3A_728 = vector.broadcast %eq3A_727 : i32 to vector<16xi32>
    %eq3A_729 = arith.cmpi eq, %get3A_723, %eq3A_728 : vector<16xi32>
    %jit3A_730 = arith.constant 0.000000e+00 : f32
    %broadcast_in_dim3A_731 = vector.broadcast %jit3A_730 : f32 to vector<16xf32>
    %select_n3A_732 = arith.select %eq3A_729, %broadcast_in_dim3A_731, %get3A_726 : vector<16xi1>, vector<16xf32>
    %add3A_733 = arith.addf %add3A_720, %select_n3A_732 : vector<16xf32>
    %get3A_734 = arith.constant 192 : index
    %get3A_735 = tpu.vector_load %arg5[%get3A_734] {strides = array<i32>} : memref<256xi32, #tpu.memory_space<vmem>>, vector<16xi32>,
    %get3A_736 = vector.shape_cast %get3A_735 : vector<16xi32> to vector<16xi32>
    %get3A_737 = arith.constant 192 : index
    %get3A_738 = tpu.vector_load %arg7[%get3A_737] {strides = array<i32>} : memref<256xf32, #tpu.memory_space<vmem>>, vector<16xf32>,
    %get3A_739 = vector.shape_cast %get3A_738 : vector<16xf32> to vector<16xf32>
    %eq3A_740 = arith.constant 0 : i32
    %eq3A_741 = vector.broadcast %eq3A_740 : i32 to vector<16xi32>
    %eq3A_742 = arith.cmpi eq, %get3A_736, %eq3A_741 : vector<16xi32>
    %jit3A_743 = arith.constant 0.000000e+00 : f32
    %broadcast_in_dim3A_744 = vector.broadcast %jit3A_743 : f32 to vector<16xf32>
    %select_n3A_745 = arith.select %eq3A_742, %broadcast_in_dim3A_744, %get3A_739 : vector<16xi1>, vector<16xf32>
    %add3A_746 = arith.addf %add3A_733, %select_n3A_745 : vector<16xf32>
    %get3A_747 = arith.constant 208 : index
    %get3A_748 = tpu.vector_load %arg5[%get3A_747] {strides = array<i32>} : memref<256xi32, #tpu.memory_space<vmem>>, vector<16xi32>,
    %get3A_749 = vector.shape_cast %get3A_748 : vector<16xi32> to vector<16xi32>
    %get3A_750 = arith.constant 208 : index
    %get3A_751 = tpu.vector_load %arg7[%get3A_750] {strides = array<i32>} : memref<256xf32, #tpu.memory_space<vmem>>, vector<16xf32>,
    %get3A_752 = vector.shape_cast %get3A_751 : vector<16xf32> to vector<16xf32>
    %eq3A_753 = arith.constant 0 : i32
    %eq3A_754 = vector.broadcast %eq3A_753 : i32 to vector<16xi32>
    %eq3A_755 = arith.cmpi eq, %get3A_749, %eq3A_754 : vector<16xi32>
    %jit3A_756 = arith.constant 0.000000e+00 : f32
    %broadcast_in_dim3A_757 = vector.broadcast %jit3A_756 : f32 to vector<16xf32>
    %select_n3A_758 = arith.select %eq3A_755, %broadcast_in_dim3A_757, %get3A_752 : vector<16xi1>, vector<16xf32>
    %add3A_759 = arith.addf %add3A_746, %select_n3A_758 : vector<16xf32>
    %get3A_760 = arith.constant 224 : index
    %get3A_761 = tpu.vector_load %arg5[%get3A_760] {strides = array<i32>} : memref<256xi32, #tpu.memory_space<vmem>>, vector<16xi32>,
    %get3A_762 = vector.shape_cast %get3A_761 : vector<16xi32> to vector<16xi32>
    %get3A_763 = arith.constant 224 : index
    %get3A_764 = tpu.vector_load %arg7[%get3A_763] {strides = array<i32>} : memref<256xf32, #tpu.memory_space<vmem>>, vector<16xf32>,
    %get3A_765 = vector.shape_cast %get3A_764 : vector<16xf32> to vector<16xf32>
    %eq3A_766 = arith.constant 0 : i32
    %eq3A_767 = vector.broadcast %eq3A_766 : i32 to vector<16xi32>
    %eq3A_768 = arith.cmpi eq, %get3A_762, %eq3A_767 : vector<16xi32>
    %jit3A_769 = arith.constant 0.000000e+00 : f32
    %broadcast_in_dim3A_770 = vector.broadcast %jit3A_769 : f32 to vector<16xf32>
    %select_n3A_771 = arith.select %eq3A_768, %broadcast_in_dim3A_770, %get3A_765 : vector<16xi1>, vector<16xf32>
    %add3A_772 = arith.addf %add3A_759, %select_n3A_771 : vector<16xf32>
    %get3A_773 = arith.constant 240 : index
    %get3A_774 = tpu.vector_load %arg5[%get3A_773] {strides = array<i32>} : memref<256xi32, #tpu.memory_space<vmem>>, vector<16xi32>,
    %get3A_775 = vector.shape_cast %get3A_774 : vector<16xi32> to vector<16xi32>
    %get3A_776 = arith.constant 240 : index
    %get3A_777 = tpu.vector_load %arg7[%get3A_776] {strides = array<i32>} : memref<256xf32, #tpu.memory_space<vmem>>, vector<16xf32>,
    %get3A_778 = vector.shape_cast %get3A_777 : vector<16xf32> to vector<16xf32>
    %eq3A_779 = arith.constant 0 : i32
    %eq3A_780 = vector.broadcast %eq3A_779 : i32 to vector<16xi32>
    %eq3A_781 = arith.cmpi eq, %get3A_775, %eq3A_780 : vector<16xi32>
    %jit3A_782 = arith.constant 0.000000e+00 : f32
    %broadcast_in_dim3A_783 = vector.broadcast %jit3A_782 : f32 to vector<16xf32>
    %select_n3A_784 = arith.select %eq3A_781, %broadcast_in_dim3A_783, %get3A_778 : vector<16xi1>, vector<16xf32>
    %add3A_785 = arith.addf %add3A_772, %select_n3A_784 : vector<16xf32>
    %swap3A_786 = arith.constant 0 : index
    %swap3A_787 = tpu.vector_load %arg8[%swap3A_786] {strides = array<i32>} : memref<16xf32, #tpu.memory_space<vmem>>, vector<16xf32>,
    %swap3A_788 = vector.shape_cast %swap3A_787 : vector<16xf32> to vector<16xf32>
    %swap3A_789 = vector.shape_cast %add3A_785 : vector<16xf32> to vector<16xf32>
    tpu.vector_store %arg8[%swap3A_786], %swap3A_789 {strides = array<i32>} : memref<16xf32, #tpu.memory_space<vmem>>, vector<16xf32>,
    %mul3A_790 = arith.constant 16 : i32
    %mul3A_791 = arith.muli %add3A, %mul3A_790 : i32
    "tpu.region"() ({
      %run_scoped3A = tpu.sem_alloc : memref<!tpu.dma_semaphore, #tpu.memory_space<semaphore_mem>>
      %dma_start3A_792 = tpu.memref_slice %arg4[%mul3A_791] : memref<512xf32, #tpu.memory_space<hbm>> -> memref<16xf32, #tpu.memory_space<hbm>>
      %dma_start3A_793 = tpu.memref_slice %arg4[%mul3A_791] : memref<512xf32, #tpu.memory_space<hbm>> -> memref<16xf32, #tpu.memory_space<hbm>>
      tpu.enqueue_dma source(%arg8 : memref<16xf32, #tpu.memory_space<vmem>>) target(%dma_start3A_793 : memref<16xf32, #tpu.memory_space<hbm>>) target_semaphore(%run_scoped3A : memref<!tpu.dma_semaphore, #tpu.memory_space<semaphore_mem>>)
      %dma_wait3A_794 = tpu.memref_slice %arg4[%mul3A_791] : memref<512xf32, #tpu.memory_space<hbm>> -> memref<16xf32, #tpu.memory_space<hbm>>
      %dma_wait3A_795 = tpu.memref_slice %arg4[%mul3A_791] : memref<512xf32, #tpu.memory_space<hbm>> -> memref<16xf32, #tpu.memory_space<hbm>>
      tpu.wait_dma2 semaphore(%run_scoped3A : memref<!tpu.dma_semaphore, #tpu.memory_space<semaphore_mem>>) src(%arg8 : memref<16xf32, #tpu.memory_space<vmem>>) dst(%dma_wait3A_795 : memref<16xf32, #tpu.memory_space<hbm>>)
      tpu.yield
    }) : () -> ()
    return
  }
}

module attributes {stable_mosaic.version = 14 : i64} {
  func.func @_tc_block(%arg0: i32, %arg1: memref<128x32000xf32, #tpu.memory_space<vmem>>, %arg2: memref<1x1x128xi32, #tpu.memory_space<vmem>>, %arg3: memref<1x1xf32, #tpu.memory_space<vmem>>) attributes {dimension_semantics = [#tpu.dimension_semantics<arbitrary>], iteration_bounds = array<i64: 64>, scalar_prefetch = 0 : i64, scratch_operands = 0 : i64, tpu.core_type = #tpu.core_type<tc>, window_params = [{transform_indices = @transform_0, window_bounds = array<i64: 128, 32000>}, {transform_indices = @transform_1, window_bounds = array<i64: 1, 1, 128>}, {pipeline_mode = #tpu.pipeline_mode<synchronous>, transform_indices = @transform_2, window_bounds = array<i64: 1, 1>}]} {
    %get3A = arith.constant 0 : index
    %get3A_0 = arith.constant 0 : index
    %get3A_1 = vector.load %arg1[%get3A, %get3A_0] : memref<128x32000xf32, #tpu.memory_space<vmem>>, vector<128x32000xf32>
    %get3A_2 = arith.constant 0 : index
    %get3A_3 = arith.constant 0 : index
    %get3A_4 = arith.constant 0 : index
    %get3A_5 = vector.load %arg2[%get3A_2, %get3A_3, %get3A_4] : memref<1x1x128xi32, #tpu.memory_space<vmem>>, vector<1x1x128xi32>
    %get3A_6 = vector.shape_cast %get3A_5 : vector<1x1x128xi32> to vector<128xi32>
    %reduce_sum3A = arith.constant dense<0.000000e+00> : vector<128xf32>
    %reduce_sum3A_7 = vector.multi_reduction <add>, %get3A_1, %reduce_sum3A [1] : vector<128x32000xf32> to vector<128xf32>
    %slice3A = vector.extract_strided_slice %get3A_1 {offsets = [0, 0], sizes = [128, 1], strides = [1, 1]} : vector<128x32000xf32> to vector<128x1xf32>
    %squeeze3A = vector.shape_cast %slice3A : vector<128x1xf32> to vector<128xf32>
    %ne3A = arith.constant 0 : i32
    %ne3A_8 = vector.broadcast %ne3A : i32 to vector<128xi32>
    %ne3A_9 = arith.cmpi ne, %get3A_6, %ne3A_8 : vector<128xi32>
    %mul3A = arith.constant 3.12519524E-6 : f32
    %mul3A_10 = vector.broadcast %mul3A : f32 to vector<128xf32>
    %mul3A_11 = arith.mulf %mul3A_10, %squeeze3A : vector<128xf32>
    %add3A = arith.constant -1.3624258 : f32
    %add3A_12 = vector.broadcast %add3A : f32 to vector<128xf32>
    %add3A_13 = arith.addf %add3A_12, %mul3A_11 : vector<128xf32>
    %mul3A_14 = arith.constant 3.12519524E-6 : f32
    %mul3A_15 = vector.broadcast %mul3A_14 : f32 to vector<128xf32>
    %mul3A_16 = arith.mulf %mul3A_15, %reduce_sum3A_7 : vector<128xf32>
    %sub3A = arith.subf %add3A_13, %mul3A_16 : vector<128xf32>
    %jit3A = arith.constant 0.000000e+00 : f32
    %broadcast_in_dim3A = vector.broadcast %jit3A : f32 to vector<128xf32>
    %select_n3A = arith.select %ne3A_9, %sub3A, %broadcast_in_dim3A : vector<128xi1>, vector<128xf32>
    %reduce_sum3A_17 = vector.shape_cast %select_n3A : vector<128xf32> to vector<1x128xf32>
    %reduce_sum3A_18 = arith.constant dense<0.000000e+00> : vector<1xf32>
    %reduce_sum3A_19 = vector.multi_reduction <add>, %reduce_sum3A_17, %reduce_sum3A_18 [1] : vector<1x128xf32> to vector<1xf32>
    %reduce_sum3A_20 = vector.shape_cast %reduce_sum3A_19 : vector<1xf32> to vector<1x1xf32>
    %reduce_sum3A_21 = vector.extract %reduce_sum3A_20[0, 0] : f32 from vector<1x1xf32>
    %eq3A = arith.constant 0 : i32
    %eq3A_22 = arith.cmpi eq, %arg0, %eq3A : i32
    %convert_element_type3A = arith.extui %eq3A_22 : i1 to i32
    %cond3A = arith.constant 0 : i32
    %cond3A_23 = arith.cmpi ne, %convert_element_type3A, %cond3A : i32
    scf.if %cond3A_23 {
      %broadcast_in_dim3A_30 = arith.constant 0.000000e+00 : f32
      %broadcast_in_dim3A_31 = vector.broadcast %broadcast_in_dim3A_30 : f32 to vector<1x1xf32>
      %swap3A_32 = arith.constant 0 : index
      %swap3A_33 = arith.constant 0 : index
      %swap3A_34 = vector.load %arg3[%swap3A_32, %swap3A_33] : memref<1x1xf32, #tpu.memory_space<vmem>>, vector<1x1xf32>
      tpu.vector_store %arg3[%swap3A_32, %swap3A_33], %broadcast_in_dim3A_31 {strides = array<i32>} : memref<1x1xf32, #tpu.memory_space<vmem>>, vector<1x1xf32>,
    } else {
    }
    %get3A_24 = arith.constant 0 : index
    %get3A_25 = arith.constant 0 : index
    %get3A_26 = vector.load %arg3[%get3A_24, %get3A_25] : memref<1x1xf32, #tpu.memory_space<vmem>>, vector<1x1xf32>
    %reshape3A = vector.broadcast %reduce_sum3A_21 : f32 to vector<1x1xf32>
    %add3A_27 = arith.addf %get3A_26, %reshape3A : vector<1x1xf32>
    %swap3A = arith.constant 0 : index
    %swap3A_28 = arith.constant 0 : index
    %swap3A_29 = vector.load %arg3[%swap3A, %swap3A_28] : memref<1x1xf32, #tpu.memory_space<vmem>>, vector<1x1xf32>
    tpu.vector_store %arg3[%swap3A, %swap3A_28], %add3A_27 {strides = array<i32>} : memref<1x1xf32, #tpu.memory_space<vmem>>, vector<1x1xf32>,
    return
  }
  func.func @transform_0(%arg0: i32) -> (i32, i32) {
    %c0_i32 = arith.constant 0 : i32
    %c0_i32_0 = arith.constant 0 : i32
    return %arg0, %c0_i32 : i32, i32
  }
  func.func @transform_1(%arg0: i32) -> (i32, i32, i32) {
    %c0_i32 = arith.constant 0 : i32
    %c0_i32_0 = arith.constant 0 : i32
    %c0_i32_1 = arith.constant 0 : i32
    return %arg0, %c0_i32, %c0_i32_0 : i32, i32, i32
  }
  func.func @transform_2(%arg0: i32) -> (i32, i32) {
    %c0_i32 = arith.constant 0 : i32
    %c0_i32_0 = arith.constant 0 : i32
    %c0_i32_1 = arith.constant 0 : i32
    return %c0_i32, %c0_i32_0 : i32, i32
  }
}

</mosaic_0001>

<sc_bundles>
// kernel: kernel.4.cloned.1.call-start
scs
__scs_entry_jumppad:
0x0: {  	(pc) =	sbr.rel $0x88, $3  }
0x1: {  	(tag) =	ssettag $0x0;
	lr =	simm.s32 $0x1  }
0x2: {  	[smem:$0x3F9F] =	sst lr;
	_ =	strace $0xD0000000  }
0x3: {  	_ = 	snop  }
0x4: {  	_ = 	snop  }
0x5: {  	_ = 	snop  }
0x6: {  	_ = 	snop  }
0x7: {  	_ = 	snop  }
__scs_overlays_trampoline_lowered:
0x8: {  	[smem:$0x3FAE] =	sst s0  }
0x9: {  	[smem:$0x3FAF] =	sst s1  }
0xa: {  	[smem:$0x3FB0] =	sst s2  }
0xb: {  	[smem:$0x3FB1] =	sst s3  }
0xc: {  	[smem:$0x3FB2] =	sst s4  }
0xd: {  	[smem:$0x3FB3] =	sst s5  }
0xe: {  	[smem:$0x3FB4] =	sst s6  }
0xf: {  	[smem:$0x3FB5] =	sst s7  }
0x10: {  	[smem:$0x3FB6] =	sst s8  }
0x11: {  	[smem:$0x3FB7] =	sst s9;
	s0 =	simm.s32 @!p0 $0x0  }
0x12: {  	s1 =	sld [smem:$0x3F9D];
	s0 =	simm.s32 @p0 $0x1  }
0x13: {  	[smem:$0x3FB8] =	sst s0;
	s0 =	simm.s32 @!p1 $0x0  }
0x14: {  	s2 =	sld [smem:$0x3F9C];
	s0 =	simm.s32 @p1 $0x1  }
0x15: {  	[smem:$0x3FB9] =	sst s0;
	s0 =	simm.s32 @!p2 $0x0  }
0x16: {  	s3 =	sld [smem:$0x3FDB];
	s0 =	simm.s32 @p2 $0x1  }
0x17: {  	s4 =	simm.s32 $0x1BF5;
	[smem:$0x3FBB] =	sst s0  }
0x18: {  	s0 =	sld [smem:$0x3F9E];
	_ =	swait.ge [sflag:s4], $0x0  }
0x19: {  	s7 =	sld [smem:$0x3F9F]  }
0x1a: {  	s8 =	sadd.s32 $0xFFFFE003, lr  }
0x1b: {  	s9 =	sadd.s32 $0xFFFFFEF7, lr;
	s5 =	simm.s32 $0xFFFFFFFF;
	p2 =	slt.u32 s8, $0xFFFFF086  }
0x1c: {  	p1 =	slt.u32 s9, $0xF7A;
	s5 =	simm.s32 @!p2 $0x0  }
0x1d: {  	s5 =	simm.s32 @p1 $0x1;
	p0 =	seq.s32 s7, s2  }
0x1e: {  	s7 =	smul.u32 @!p0 $0xF7A, s2;
	p2 =	seq.s32 @!p0 s5, $0x0  }
0x1f: {  	s9 =	smul.u32 $0xF7A, s1;
	s8 =	simm.s32 @!p0 $0x1BF5;
	p2 =	por !p2, p0  }
0x20: {  	[sflag:s8] =	ssyncset.s32 @!p0 $0xFFFFF086;
	s6 =	sadd.s32 @!p0 s3, s7;
	s7 =	simm.s32 @!p0 $0x108  }
0x21: {  	s3 =	sadd.s32 s3, s9;
	s6 =	sadd.s32 @!p0 $0x88, s6;
	s7 =	simm.s32 @p2 $0x1082  }
0x22: {  	[simem:s7], [sflag:s8] =	dma.local @!p0 [hbm:s6], $0xF7A  }
0x23: {  	s9 =	sor.u32 $0xD0000000, s2;
	s6 =	simm.s32 $0x108;
	_ =	swait.ge @!p0 [sflag:s8], $0x0  }
0x24: {  	s3 =	sadd.s32 $0x88, s3;
	s6 =	simm.s32 @!p1 $0x1082;
	[sflag:s4] =	ssyncset.s32 $0xFFFFF086  }
0x25: {  	[simem:s6], [sflag:s4] =	dma.local [hbm:s3], $0xF7A  }
0x26: {  	[smem:$0x3F9F] =	sst s1;
	(tag) =	ssettag s2;
	_ =	strace s9  }
0x27: {  	s1 =	sld [smem:$0x3FAF]  }
0x28: {  	s2 =	sld [smem:$0x3FB0]  }
0x29: {  	s4 =	sld [smem:$0x3FB2]  }
0x2a: {  	p0 =	seq.s32 s5, $0x0;
	s5 =	sld [smem:$0x3FB3]  }
0x2b: {  	s6 =	sld [smem:$0x3FB4]  }
0x2c: {  	s7 =	sld [smem:$0x3FB5]  }
0x2d: {  	s3 =	simm.s32 $0x108;
	s8 =	sld [smem:$0x3FB6]  }
0x2e: {  	s3 =	simm.s32 @!p0 $0x1082;
	s9 =	sld [smem:$0x3FB7]  }
0x2f: {  	lr =	sadd.s32 s0, s3;
	s0 =	sld [smem:$0x3FAE]  }
0x30: {  	s3 =	sld [smem:$0x3FB1]  }
0x31: {  	[smem:$0x3FBA] =	sst s10  }
0x32: {  	s10 =	sld [smem:$0x3FB8];
	_ =	sdelay $0x3  }
0x33: {  	p0 =	seq.s32 s10, $0x1;
	s10 =	sld [smem:$0x3FBA];
	_ =	sdelay $0x3  }
0x34: {  	[smem:$0x3FBA] =	sst s10  }
0x35: {  	s10 =	sld [smem:$0x3FB9];
	_ =	sdelay $0x3  }
0x36: {  	p1 =	seq.s32 s10, $0x1;
	s10 =	sld [smem:$0x3FBA];
	_ =	sdelay $0x3  }
0x37: {  	[smem:$0x3FBA] =	sst s10  }
0x38: {  	s10 =	sld [smem:$0x3FBB]  }
0x39: {  	_ = 	snop;
	(pc) =	sbr.ind lr, $3  }
0x3a: {  	_ = 	snop  }
0x3b: {  	_ = 	snop  }
0x3c: {  	p2 =	seq.s32 s10, $0x1;
	s10 =	sld [smem:$0x3FBA]  }
0x3d: {  	_ =	shalt  }
0x3e: {  	_ =	shalt  }
0x3f: {  	_ =	shalt  }
0x40: {  	_ =	shalt  }
0x41: {  	_ =	shalt  }
0x42: {  	_ =	shalt  }
0x43: {  	_ =	shalt  }
0x44: {  	_ =	shalt  }
0x45: {  	_ =	shalt  }
0x46: {  	_ =	shalt  }
0x47: {  	_ =	shalt  }
0x48: {  	_ =	shalt  }
0x49: {  	_ =	shalt  }
0x4a: {  	_ =	shalt  }
0x4b: {  	_ =	shalt  }
0x4c: {  	_ =	shalt  }
0x4d: {  	_ =	shalt  }
0x4e: {  	_ =	shalt  }
0x4f: {  	_ =	shalt  }
0x50: {  	_ =	shalt  }
0x51: {  	_ =	shalt  }
0x52: {  	_ =	shalt  }
0x53: {  	_ =	shalt  }
0x54: {  	_ =	shalt  }
0x55: {  	_ =	shalt  }
0x56: {  	_ =	shalt  }
0x57: {  	_ =	shalt  }
0x58: {  	_ =	shalt  }
0x59: {  	_ =	shalt  }
0x5a: {  	_ =	shalt  }
0x5b: {  	_ =	shalt  }
0x5c: {  	_ =	shalt  }
0x5d: {  	_ =	shalt  }
0x5e: {  	_ =	shalt  }
0x5f: {  	_ =	shalt  }
0x60: {  	_ =	shalt  }
0x61: {  	_ =	shalt  }
0x62: {  	_ =	shalt  }
0x63: {  	_ =	shalt  }
0x64: {  	_ =	shalt  }
0x65: {  	_ =	shalt  }
0x66: {  	_ =	shalt  }
0x67: {  	_ =	shalt  }
0x68: {  	_ =	shalt  }
0x69: {  	_ =	shalt  }
0x6a: {  	_ =	shalt  }
0x6b: {  	_ =	shalt  }
0x6c: {  	_ =	shalt  }
0x6d: {  	_ =	shalt  }
0x6e: {  	_ =	shalt  }
0x6f: {  	_ =	shalt  }
0x70: {  	_ =	shalt  }
0x71: {  	_ =	shalt  }
0x72: {  	_ =	shalt  }
0x73: {  	_ =	shalt  }
0x74: {  	_ =	shalt  }
0x75: {  	_ =	shalt  }
0x76: {  	_ =	shalt  }
0x77: {  	_ =	shalt  }
0x78: {  	_ =	shalt  }
0x79: {  	_ =	shalt  }
0x7a: {  	_ =	shalt  }
0x7b: {  	_ =	shalt  }
0x7c: {  	_ =	shalt  }
0x7d: {  	_ =	shalt  }
0x7e: {  	_ =	shalt  }
0x7f: {  	_ =	shalt  }
0x80: {  	_ =	shalt  }
0x81: {  	_ =	shalt  }
0x82: {  	_ =	shalt  }
0x83: {  	_ =	shalt  }
0x84: {  	_ =	shalt  }
0x85: {  	_ =	shalt  }
0x86: {  	_ =	shalt  }
0x87: {  	_ =	shalt  }
.Lfunc_end0:
.L_simem_size_0:
called_computation_lowered:
.L_overlay_start_0:
0x88: {  	s2 =	sld [smem:$0x3FD9]  }
0x89: {  	s3 =	sld [smem:$0x3FFE];
	_ =	sdelay $0x1  }
0x8a: {  	s1 =	srdreg.scid  }
0x8b: {  	s0 =	sand.u32 $0x1, s1  }
0x8c: {  	s17 =	sshll.u32 s0, $0xA;
	s2 =	sadd.s32 s3, s2  }
0x8d: {  	s2 =	sadd.s32 s2, s17  }
0x8e: {  	[smem:$0x3FC6] =	sst s2  }
0x8f: {  	_ = 	snop  }
0x90: {  	s2 =	sld [smem:$0x3FC9]  }
0x91: {  	s18 =	sld [smem:$0x3FC8];
	(tm) =	ssettm $0x1  }
0x92: {  	s4 =	sld [smem:$0x3FFB];
	_ =	sdelay $0x3  }
0x93: {  	_ =	strace s4  }
0x94: {  	s4 =	sld [smem:$0x3FFC];
	_ =	sdelay $0x3  }
0x95: {  	_ =	strace s4  }
0x96: {  	s4 =	sld [smem:$0x3FFD];
	_ =	sdelay $0x3  }
0x97: {  	_ =	strace s4  }
0x98: {  	_ =	strace $0x8FFFFFFF  }
0x99: {  	s19 =	sld [smem:$0x3FDB];
	_ =	sdelay $0x1  }
0x9a: {  	s5 =	simm.s32 $_scs_section_size  }
0x9b: {  	s6 =	simm.s32 $_size__tile_overlayer_lowered;
	s7 =	simm.s32 $_tile_overlayer_lowered  }
0x9c: {  	s22 =	simm.s32 $0x1BFF;
	s21 =	sshll.u32 s7, $0x1;
	s4 =	sadd.s32 s5, s19  }
0x9d: {  	s8 =	simm.s32 $0x0;
	s20 =	sshll.u32 s6, $0x1;
	s6 =	sadd.s32 s21, s4  }
0x9e: {  	[timem:s8], [sflag:s22] =	dma.local [hbm:s6], s20  }
0x9f: {  	_ =	swait.ge [sflag:s22], s20  }
0xa0: {  	s5 =	ssub.s32 $0x0, s20;
	[sflag:s22] =	ssyncset.done $0x0  }
0xa1: {  	[sflag:s22] =	ssyncadd.s32 s5;
	_ =	sdelay $0x1  }
0xa2: {  	s23 =	simm.s32 $0x1B8B  }
0xa3: {  	_ =	swait.ge [sflag:s23], $0x1  }
0xa4: {  	[sflag:s23] =	ssyncset.done $0x0  }
0xa5: {  	s25 =	simm.s32 $0x1B8E;
	s24 =	sld [smem:$0x3FFE];
	[sflag:s23] =	ssyncadd.s32 $0xFFFFFFFF  }
0xa6: {  	s26 =	simm.s32 $execute0_lowered;
	[smem:$0x3FD2] =	sst s25  }
0xa7: {  	s6 =	sshll.u32 s26, $0x1;
	_ =	strace $0x80000046;
	[dreg:$0x1] =	wrdreg $0xFFFFFFFF  }
0xa8: {  	s28 =	simm.s32 $_size_execute0_lowered;
	s4 =	sadd.s32 s4, s6;
	[dreg:$0x0] =	wrdreg $0x0  }
0xa9: {  	s6 =	sshll.u32 s28, $0x1;
	[dreg:$0x2] =	wrdreg s4  }
0xaa: {  	[dreg:$0x3] =	wrdreg s6  }
0xab: {  	[dreg:$0x4] =	wrdreg $0xC0  }
0xac: {  	_ =	task [dreg:s8], $0x5FFFF  }
0xad: {  	[dreg:$0x1] =	wrdreg $0xFFFFFFFF  }
0xae: {  	[dreg:$0x0] =	wrdreg $0x60  }
0xaf: {  	[dreg:$0x2] =	wrdreg s2  }
0xb0: {  	[dreg:$0x3] =	wrdreg s18  }
0xb1: {  	[dreg:$0x4] =	wrdreg s24  }
0xb2: {  	[dreg:$0x5] =	wrdreg $0x9  }
0xb3: {  	_ =	task.clear_ibuf [dreg:s8], $0x6FFFF;
	_ =	strace $0x90000046  }
0xb4: {  	s29 =	simm.s32 $0x9;
	_ =	strace $0x80000048  }
0xb5: {  	_ =	swait.ge [sflag:s29], $0x1  }
0xb6: {  	[sflag:s29] =	ssyncadd.s32 $0xFFFFFFFF  }
0xb7: {  	_ =	strace $0x90000048  }
0xb8: {  	_ =	sfence  }
0xb9: {  	s30 =	sld [smem:$0x0];
	_ =	sdelay $0x2  }
0xba: {  	s31 =	sshll.u32 s1, $0xD;
	s1 =	sshrl.u32 s1, $0x2  }
0xbb: {  	s3 =	sand.u32 $0x4000, s31;
	s1 =	sadd.s32 s1, s30  }
0xbc: {  	s0 =	sor.u32 s3, s0;
	s1 =	sshll.u32 s1, $0x11  }
0xbd: {  	s0 =	sor.u32 s1, s0  }
0xbe: {  	s0 =	sadd.s32 $0x8F2B, s0  }
0xbf: {  	[sflag:s0] =	ssyncadd.remote.s32 $0x1  }
0xc0: {  	_ =	sfence.sel $0xFFFF  }
0xc1: {  	[dreg:$0x0] =	wrdreg $0xFFFFFFFF;
	(pc) =	sbr.abs _section_cstart, $3  }
0xc2: {  	[dreg:$0x1] =	wrdreg $0xFFFFFFFF  }
0xc3: {  	_ =	task.clear_ibuf [dreg:s8], $0x2FFFF;
	_ =	strace $0x9FFFFFFF  }
0xc4: {  	(tm) =	ssettm $0x7FFFFFFF  }
0xc5: {  	_ =	shalt  }
tec
execute0_lowered:
.L_overlay_start_1:
0x0: {  	(tag) =	ssettag $0x1  }
0x1: {  	s1 =	srdreg.scid;
	s0 =	stileid.u32  }
0x2: {  	s4 =	sand.u32 $0x1, s1;
	s18 =	sshll.u32 s0, $0x1  }
0x3: {  	s6 =	sor.u32 s4, s18  }
0x4: {  	v14 =	vlaneseq.u32;
	s5 =	sshll.u32 s6, $0x8  }
0x5: {  	v17 =	vand.u32 $0x7, v14;
	v0 =	vor.u32 s5, v14;
	s19 =	sor.u32 $0x10, s5;
	s20 =	sor.u32 $0x20, s5  }
0x6: {  	s2 =	sor.u32 $0x30, s5;
	s21 =	sor.u32 $0x40, s5;
	s22 =	sor.u32 $0x50, s5;
	v0 =	vshrl.u32 v0, $0x3;
	v1 =	vor.u32 s19, v14;
	v2 =	vor.u32 s20, v14  }
0x7: {  	s3 =	sor.u32 $0x60, s5;
	s23 =	sor.u32 $0x70, s5;
	s9 =	sor.u32 $0x80, s5;
	v3 =	vor.u32 s2, v14;
	v4 =	vor.u32 s21, v14;
	v5 =	vor.u32 s22, v14  }
0x8: {  	s10 =	sor.u32 $0x90, s5;
	s24 =	sor.u32 $0xA0, s5;
	s26 =	sor.u32 $0xB0, s5;
	v6 =	vor.u32 s3, v14;
	v7 =	vor.u32 s23, v14;
	v8 =	vor.u32 s9, v14  }
0x9: {  	s11 =	sor.u32 $0xC0, s5;
	s28 =	sor.u32 $0xD0, s5;
	s30 =	sor.u32 $0xE0, s5;
	v9 =	vor.u32 s10, v14;
	v10 =	vor.u32 s24, v14;
	v11 =	vor.u32 s26, v14  }
0xa: {  	s31 =	sor.u32 $0xF0, s5;
	v12 =	vor.u32 s11, v14;
	v13 =	vor.u32 s28, v14;
	v15 =	vor.u32 s30, v14  }
0xb: {  	v16 =	vor.u32 s31, v14;
	v0 =	vmul.u32 $0xFA, v0;
	v1 =	vshrl.u32 v1, $0x3  }
0xc: {  	v2 =	vshrl.u32 v2, $0x3;
	v3 =	vshrl.u32 v3, $0x3;
	v4 =	vshrl.u32 v4, $0x3  }
0xd: {  	s7 =	rddreg [dreg:$0x1];
	v5 =	vshrl.u32 v5, $0x3;
	v6 =	vshrl.u32 v6, $0x3;
	v7 =	vshrl.u32 v7, $0x3  }
0xe: {  	s8 =	rddreg [dreg:$0x2];
	s13 =	simm.s32 $0x280;
	v8 =	vshrl.u32 v8, $0x3;
	v9 =	vshrl.u32 v9, $0x3;
	v10 =	vshrl.u32 v10, $0x3  }
0xf: {  	s14 =	simm.s32 $0x300;
	s1 =	rddreg [dreg:$0x0];
	s4 =	ssub.s32 $0x2, s4;
	v11 =	vshrl.u32 v11, $0x3;
	v12 =	vshrl.u32 v12, $0x3;
	v13 =	vshrl.u32 v13, $0x3  }
0x10: {  	s25 =	sshll.u32 s6, $0x1;
	s12 =	sshrl.u32 s4, $0x1;
	s6 =	sshll.u32 s6, $0x5;
	v15 =	vshrl.u32 v15, $0x3;
	v16 =	vshrl.u32 v16, $0x3;
	v1 =	vmul.u32 $0xFA, v1  }
0x11: {  	s8 =	sadd.s32 s25, s8;
	s29 =	ssub.s32 s4, s12;
	s4 =	sadd.s32 s7, s6;
	v2 =	vmul.u32 $0xFA, v2;
	v3 =	vmul.u32 $0xFA, v3;
	v4 =	vmul.u32 $0xFA, v4  }
0x12: {  	s7 =	simm.s32 $0x2;
	s12 =	simm.s32 $0x180;
	s2 =	rddreg [dreg:$0x3];
	v5 =	vmul.u32 $0xFA, v5;
	v6 =	vmul.u32 $0xFA, v6;
	v7 =	vmul.u32 $0xFA, v7  }
0x13: {  	s3 =	simm.s32 $0x0;
	s5 =	sadd.s32 $0x200, s8;
	s6 =	smax.u32 s29, $0x1;
	v8 =	vmul.u32 $0xFA, v8;
	v9 =	vmul.u32 $0xFA, v9;
	v10 =	vmul.u32 $0xFA, v10  }
0x14: {  	s8 =	simm.s32 $0x80;
	s9 =	simm.s32 $0x100;
	[smem:$0x7FF] =	sst s3;
	v11 =	vmul.u32 $0xFA, v11;
	v12 =	vmul.u32 $0xFA, v12;
	v13 =	vmul.u32 $0xFA, v13  }
0x15: {  	s10 =	simm.s32 $0x200;
	s11 =	simm.s32 $0x1;
	_ =	strace $0x80000047;
	v14 =	vmul.u32 $0xFA, v15;
	v15 =	vmul.u32 $0xFA, v16;
	v16 =	vmul.u32 $0x80, v17  }
.LBB2_1:
0x16: {  	[tilespmem:s3], [sflag:$0x2] =	stream.linear.gather [hbm4b:s4+s3], $0x100, $0x38;
	[tilespmem:$0x380] =	vst v63  }
0x17: {  	_ =	swait.ge [sflag:s7], $0x100  }
0x18: {  	[sflag:s7] =	ssyncset.done $0x0  }
0x19: {  	[sflag:s7] =	ssyncadd.s32 $0xFFFFFF00  }
0x1a: {  	v17 =	vld [tilespmem:$0x0]  }
0x1b: {  	v18 =	vld [tilespmem:$0x10]  }
0x1c: {  	v19 =	vld [tilespmem:$0x20]  }
0x1d: {  	v21 =	vld [tilespmem:$0x30]  }
0x1e: {  	v22 =	vld [tilespmem:$0x40]  }
0x1f: {  	v46 =	vld [tilespmem:$0x50]  }
0x20: {  	v24 =	vld [tilespmem:$0x60]  }
0x21: {  	v26 =	vld [tilespmem:$0x70]  }
0x22: {  	v49 =	vld [tilespmem:$0x80]  }
0x23: {  	v28 =	vld [tilespmem:$0x90]  }
0x24: {  	v30 =	vld [tilespmem:$0xA0]  }
0x25: {  	v55 =	vld [tilespmem:$0xB0];
	v20 =	vshrl.u32 v17, $0x7;
	v17 =	vand.u32 $0x7F, v17;
	v44 =	vshrl.u32 v18, $0x7  }
0x26: {  	v57 =	vld [tilespmem:$0xC0];
	v23 =	vshrl.u32 v19, $0x7;
	v18 =	vand.u32 $0x7F, v18;
	v19 =	vand.u32 $0x7F, v19  }
0x27: {  	v61 =	vld [tilespmem:$0xD0];
	v47 =	vshrl.u32 v21, $0x7;
	v25 =	vshrl.u32 v22, $0x7;
	v21 =	vand.u32 $0x7F, v21  }
0x28: {  	v33 =	vld [tilespmem:$0xE0];
	v22 =	vand.u32 $0x7F, v22;
	v50 =	vshrl.u32 v46, $0x7;
	v27 =	vshrl.u32 v24, $0x7  }
0x29: {  	v36 =	vld [tilespmem:$0xF0];
	v52 =	vshrl.u32 v26, $0x7;
	v24 =	vand.u32 $0x7F, v24;
	v29 =	vshrl.u32 v49, $0x7  }
0x2a: {  	v26 =	vand.u32 $0x7F, v26;
	v56 =	vshrl.u32 v28, $0x7;
	v58 =	vand.u32 $0x7F, v28  }
0x2b: {  	v59 =	vshrl.u32 v30, $0x7;
	v62 =	vand.u32 $0x7F, v30;
	v63 =	vshrl.u32 v55, $0x7  }
0x2c: {  	v31 =	vshrl.u32 v57, $0x7;
	v32 =	vand.u32 $0x7F, v55;
	v35 =	vand.u32 $0x7F, v57  }
0x2d: {  	v38 =	vshrl.u32 v61, $0x7;
	v39 =	vand.u32 $0x7F, v61;
	v40 =	vshrl.u32 v33, $0x7  }
0x2e: {  	v41 =	vshrl.u32 v36, $0x7;
	v42 =	vand.u32 $0x7F, v33;
	v20 =	vadd.s32 v0, v20  }
0x2f: {  	v23 =	vadd.s32 v2, v23;
	v25 =	vadd.s32 v4, v25;
	v27 =	vadd.s32 v6, v27  }
0x30: {  	v54 =	vadd.s32 v8, v29;
	v60 =	vadd.s32 v10, v59;
	v30 =	vadd.s32 v11, v63  }
0x31: {  	v20 =	vshll.u32 v20, $0xA;
	v45 =	vshll.u32 v23, $0xA;
	v48 =	vshll.u32 v25, $0xA  }
0x32: {  	v23 =	vand.u32 $0x7F, v46;
	v51 =	vshll.u32 v27, $0xA;
	v27 =	vadd.s32 v7, v52  }
0x33: {  	v25 =	vand.u32 $0x7F, v49;
	v17 =	vor.u32 v17, v20;
	v20 =	vadd.s32 v1, v44  }
0x34: {  	v19 =	vor.u32 v19, v45;
	v53 =	vshll.u32 v27, $0xA;
	v27 =	vshll.u32 v54, $0xA  }
0x35: {  	v17 =	vor.u32 v16, v17;
	v20 =	vshll.u32 v20, $0xA;
	v19 =	vor.u32 v16, v19  }
0x36: {  	v25 =	vor.u32 v25, v27;
	v18 =	vor.u32 v18, v20;
	v20 =	vadd.s32 v3, v47  }
0x37: {  	[tilespmem:$0x120] =	vst v19;
	v19 =	vshll.u32 v60, $0xA;
	v37 =	vor.u32 v16, v25;
	v20 =	vshll.u32 v20, $0xA  }
0x38: {  	[tilespmem:$0x100] =	vst v17;
	v20 =	vor.u32 v21, v20;
	v21 =	vor.u32 v22, v48;
	v22 =	vadd.s32 v5, v50  }
0x39: {  	v18 =	vor.u32 v16, v18;
	v19 =	vor.u32 v62, v19;
	[tilespmem:$0x180] =	vst v37;
	v22 =	vshll.u32 v22, $0xA  }
0x3a: {  	[tilespmem:$0x110] =	vst v18;
	v20 =	vor.u32 v16, v20;
	v21 =	vor.u32 v16, v21;
	v22 =	vor.u32 v23, v22  }
0x3b: {  	v23 =	vor.u32 v24, v51;
	v24 =	vor.u32 v26, v53;
	v26 =	vadd.s32 v9, v56;
	[tilespmem:$0x130] =	vst v20  }
0x3c: {  	[tilespmem:$0x140] =	vst v21;
	v20 =	vshll.u32 v30, $0xA;
	v22 =	vor.u32 v16, v22;
	v23 =	vor.u32 v16, v23  }
0x3d: {  	v17 =	vshll.u32 v26, $0xA;
	v18 =	vor.u32 v16, v24;
	v24 =	vadd.s32 v12, v31;
	[tilespmem:$0x150] =	vst v22  }
0x3e: {  	v20 =	vor.u32 v32, v20;
	[tilespmem:$0x170] =	vst v18;
	v18 =	vor.u32 v16, v19;
	v19 =	vadd.s32 v13, v38  }
0x3f: {  	v17 =	vor.u32 v58, v17;
	v34 =	vshll.u32 v24, $0xA;
	[tilespmem:$0x160] =	vst v23;
	v19 =	vshll.u32 v19, $0xA  }
0x40: {  	v20 =	vor.u32 v16, v20;
	v21 =	vor.u32 v35, v34;
	[tilespmem:$0x1A0] =	vst v18;
	v19 =	vor.u32 v39, v19  }
0x41: {  	v17 =	vor.u32 v16, v17;
	[tilespmem:$0x1B0] =	vst v20;
	v18 =	vor.u32 v16, v19;
	v19 =	vadd.s32 v14, v40  }
0x42: {  	[tilespmem:$0x190] =	vst v17;
	v17 =	vor.u32 v16, v21;
	v21 =	vadd.s32 v15, v41;
	v19 =	vshll.u32 v19, $0xA  }
0x43: {  	v43 =	vand.u32 $0x7F, v36;
	[tilespmem:$0x1C0] =	vst v17;
	v17 =	vor.u32 v42, v19;
	v19 =	vshll.u32 v21, $0xA  }
0x44: {  	[tilespmem:$0x1D0] =	vst v18;
	v17 =	vor.u32 v16, v17;
	v18 =	vor.u32 v43, v19  }
0x45: {  	[tilespmem:$0x1E0] =	vst v17;
	v17 =	vor.u32 v16, v18  }
0x46: {  	[tilespmem:$0x1F0] =	vst v17  }
0x47: {  	[tilespmem:s10], [sflag:$0x1] =	stream.indirect.gather [hbm4b:s1+s8], $0x1, s9, s8, $0xb8;
	[tilespmem:$0x380] =	vst v63  }
0x48: {  	_ =	swait.ge [sflag:s11], $0x80  }
0x49: {  	[sflag:s11] =	ssyncset.done $0x0  }
0x4a: {  	[sflag:s11] =	ssyncadd.s32 $0xFFFFFF80  }
0x4b: {  	[tilespmem:s13], [sflag:$0x1] =	stream.indirect.gather [hbm4b:s1+s8], $0x1, s12, s8, $0xb8;
	[tilespmem:$0x380] =	vst v63  }
0x4c: {  	_ =	swait.ge [sflag:s11], $0x80  }
0x4d: {  	[sflag:s11] =	ssyncset.done $0x0  }
0x4e: {  	[sflag:s11] =	ssyncadd.s32 $0xFFFFFF80  }
0x4f: {  	v17 =	vld [tilespmem:$0x0]  }
0x50: {  	v18 =	vld [tilespmem:$0x200]  }
0x51: {  	v19 =	vld [tilespmem:$0x10]  }
0x52: {  	v44 =	vld [tilespmem:$0x210]  }
0x53: {  	v45 =	vld [tilespmem:$0x20]  }
0x54: {  	v46 =	vld [tilespmem:$0x220]  }
0x55: {  	v47 =	vld [tilespmem:$0x30];
	v18 =	vadd.f32 $0.0e+00, v18  }
0x56: {  	vm0 =	veq.s32 v17, $0x0;
	vm1 =	veq.s32 v19, $0x0;
	v17 =	vld [tilespmem:$0x230]  }
0x57: {  	v48 =	vld [tilespmem:$0x40];
	v19 =	vsel vm1, $0x0, v44;
	v18 =	vsel vm0, $0x0, v18  }
0x58: {  	vm14 =	veq.s32 v45, $0x0;
	v18 =	vadd.f32 v19, v18;
	v19 =	vld [tilespmem:$0x240]  }
0x59: {  	v49 =	vld [tilespmem:$0x50];
	v21 =	vsel vm14, $0x0, v46  }
0x5a: {  	v50 =	vld [tilespmem:$0x250];
	vm15 =	veq.s32 v47, $0x0;
	v18 =	vadd.f32 v21, v18  }
0x5b: {  	v51 =	vld [tilespmem:$0x60];
	v17 =	vsel vm15, $0x0, v17  }
0x5c: {  	vm4 =	veq.s32 v48, $0x0;
	v17 =	vadd.f32 v17, v18;
	v18 =	vld [tilespmem:$0x260]  }
0x5d: {  	v52 =	vld [tilespmem:$0x70];
	v19 =	vsel vm4, $0x0, v19  }
0x5e: {  	vm5 =	veq.s32 v49, $0x0;
	v17 =	vadd.f32 v19, v17;
	v19 =	vld [tilespmem:$0x270]  }
0x5f: {  	v53 =	vld [tilespmem:$0x80];
	v21 =	vsel vm5, $0x0, v50  }
0x60: {  	v54 =	vld [tilespmem:$0x280];
	vm6 =	veq.s32 v51, $0x0;
	v17 =	vadd.f32 v21, v17  }
0x61: {  	v55 =	vld [tilespmem:$0x90];
	v18 =	vsel vm6, $0x0, v18  }
0x62: {  	vm7 =	veq.s32 v52, $0x0;
	v17 =	vadd.f32 v18, v17;
	v18 =	vld [tilespmem:$0x290]  }
0x63: {  	v56 =	vld [tilespmem:$0xA0];
	v19 =	vsel vm7, $0x0, v19  }
0x64: {  	vm8 =	veq.s32 v53, $0x0;
	v17 =	vadd.f32 v19, v17;
	v19 =	vld [tilespmem:$0x2A0]  }
0x65: {  	v57 =	vld [tilespmem:$0xB0];
	v21 =	vsel vm8, $0x0, v54  }
0x66: {  	v58 =	vld [tilespmem:$0x2B0];
	vm9 =	veq.s32 v55, $0x0;
	v17 =	vadd.f32 v21, v17  }
0x67: {  	v59 =	vld [tilespmem:$0xC0];
	v18 =	vsel vm9, $0x0, v18  }
0x68: {  	vm10 =	veq.s32 v56, $0x0;
	v17 =	vadd.f32 v18, v17;
	v18 =	vld [tilespmem:$0x2C0]  }
0x69: {  	v60 =	vld [tilespmem:$0xD0];
	v19 =	vsel vm10, $0x0, v19  }
0x6a: {  	vm11 =	veq.s32 v57, $0x0;
	v17 =	vadd.f32 v19, v17;
	v19 =	vld [tilespmem:$0x2D0]  }
0x6b: {  	v61 =	vld [tilespmem:$0xE0];
	v21 =	vsel vm11, $0x0, v58  }
0x6c: {  	v62 =	vld [tilespmem:$0x2E0];
	vm12 =	veq.s32 v59, $0x0;
	v17 =	vadd.f32 v21, v17  }
0x6d: {  	v63 =	vld [tilespmem:$0xF0];
	v18 =	vsel vm12, $0x0, v18  }
0x6e: {  	vm13 =	veq.s32 v60, $0x0;
	v17 =	vadd.f32 v18, v17;
	v18 =	vld [tilespmem:$0x2F0]  }
0x6f: {  	v19 =	vsel vm13, $0x0, v19  }
0x70: {  	vm14 =	veq.s32 v61, $0x0;
	v17 =	vadd.f32 v19, v17  }
0x71: {  	v19 =	vsel vm14, $0x0, v62  }
0x72: {  	vm15 =	veq.s32 v63, $0x0;
	v17 =	vadd.f32 v19, v17  }
0x73: {  	v18 =	vsel vm15, $0x0, v18  }
0x74: {  	v17 =	vadd.f32 v18, v17  }
0x75: {  	p0 =	sne.s32 s6, $0x1  }
.Ltmp0:
0x76: {  	[tilespmem:$0x300] =	vst v17;
	(pc) =	sbr.rel @p0 .LBB2_1-.Ltmp0, $4  }
0x77: {  	[hbm4b:s5+s3] =	stream.linear.scatter [tilespmem:s14], [sflag:$0x2], $0x10, $0x38;
	[tilespmem:$0x380] =	vst v63  }
0x78: {  	_ =	swait.ge [sflag:s7], $0x10  }
0x79: {  	[sflag:s7] =	ssyncset.done $0x0  }
0x7a: {  	s6 =	sadd.s32 $0xFFFFFFFF, s6;
	[sflag:s7] =	ssyncadd.s32 $0xFFFFFFF0  }
0x7b: {  	_ =	sfence.sel $0x180000  }
0x7c: {  	[bflag:$0x0] =	sbarrier.arrive $0xFFFF  }
0x7d: {  	p0 =	sne.s32 s0, $0x0;
	_ =	strace $0x90000047  }
0x7e: {  	s0 =	sadd.s32 @!p0 $0x100000, s2;
	[bflag:$0x2] =	sbarrier.arrive $0xFFFF  }
0x7f: {  	[sflag:s0] =	ssyncadd.tile.s32 @!p0 $0x1;
	_ =	shalt  }
.Lfunc_end2:
_tile_overlayer_lowered:
.L_overlay_start_2:
0x80: {  	(tag) =	ssettag $0x2  }
0x81: {  	s0 =	rddreg [dreg:$0x0];
	s2 =	stileid.u32  }
0x82: {  	s1 =	rddreg [dreg:$0x1];
	p0 =	sne.s32 s2, $0x0  }
0x83: {  	s3 =	rddreg [dreg:$0x2];
	[bflag:$0x3] =	sbarrier.arrive $0xFFFF;
	s2 =	simm.s32 @!p0 $0x1C02  }
0x84: {  	[timem:s3], [sflag:s2] =	dma.local @!p0 [hbm:s0], s1  }
0x85: {  	s0 =	simm.s32 @!p0 $0x2  }
0x86: {  	_ =	swait.ge @!p0 [sflag:s0], s1  }
0x87: {  	s1 =	ssub.s32 @!p0 $0x0, s1;
	[sflag:s0] =	ssyncset.done @!p0 $0x0  }
0x88: {  	[sflag:s0] =	ssyncadd.s32 @!p0 s1  }
0x89: {  	[bflag:$0x3] =	sbarrier.arrive $0xFFFF  }
0x8a: {  	_ =	shalt  }

</sc_bundles>
